<compile_context>
chip_gen: v7x
topology: tpu7x:2x2x1
jax: 0.10.2.dev20260603
libtpu: 0.0.44.dev20260713+nightly
codegen_flags: <defaults>
</compile_context>

<pallas_src>
import functools

import jax
import jax.numpy as jnp
from jax import lax
from jax.experimental import pallas as pl
from jax.experimental.pallas import tpu as pltpu
from jax.experimental.pallas import tpu_sc as plsc

N, S, D = 12, 2048, 64
NC, NS, L = 2, 16, 16
NW = NC * NS
R = 16
TASKS1 = N * D
NBLK = N * (S // R)

_mesh = plsc.VectorSubcoreMesh(
    core_axis_name="c", subcore_axis_name="s", num_cores=NC, num_subcores=NS
)


@functools.partial(
    pl.kernel,
    out_type=(
        jax.ShapeDtypeStruct((N, D, S), jnp.int32),
        jax.ShapeDtypeStruct((N, D, S), jnp.float32),
    ),
    mesh=_mesh,
    compiler_params=pltpu.CompilerParams(needs_layout_passes=False, use_tc_tiling_on_sc=False),
    scratch_types=[
        pltpu.VMEM((S,), jnp.float32),
        pltpu.VMEM((S,), jnp.float32),
        pltpu.VMEM((S,), jnp.int32),
        pltpu.VMEM((S,), jnp.int32),
        pltpu.VMEM((S,), jnp.int32),
        pltpu.VMEM((S,), jnp.float32),
    ],
)
def _stage1(qT, kT, qiT, kiT, colsT, valsT, qr, kr, qir, kir, cr, vr):
    w = lax.axis_index("s") * NC + lax.axis_index("c")
    per = TASKS1 // NW

    def task(t, carry):
        g = w * per + t
        n = g // D
        di = g % D
        pltpu.sync_copy(qT.at[n, di], qr)
        pltpu.sync_copy(kT.at[n, di], kr)
        pltpu.sync_copy(qiT.at[n, di], qir)
        pltpu.sync_copy(kiT.at[n, di], kir)

        def grp(j, carry2):
            qi = qir[pl.ds(j * L, L)]
            ki = kir[pl.ds(j * L, L)]
            qs = plsc.load_gather(qr, [qi])
            ks = plsc.load_gather(kr, [ki])
            dqk = qs - ks
            v = jnp.exp(-(dqk * dqk)) * (1.0 / D)
            plsc.store_scatter(cr, [qi], ki)
            plsc.store_scatter(vr, [qi], v)
            return carry2

        lax.fori_loop(0, S // L, grp, 0)
        pltpu.sync_copy(cr, colsT.at[n, di])
        pltpu.sync_copy(vr, valsT.at[n, di])
        return carry

    lax.fori_loop(0, per, task, 0)


@functools.partial(
    pl.kernel,
    out_type=jax.ShapeDtypeStruct((N, S, S), jnp.float32),
    mesh=_mesh,
    compiler_params=pltpu.CompilerParams(needs_layout_passes=False, use_tc_tiling_on_sc=False),
    scratch_types=[
        pltpu.VMEM((2, R, S), jnp.float32),
        pltpu.VMEM((R, S // 4), jnp.int32),
        pltpu.VMEM((2, D, R), jnp.int32),
        pltpu.VMEM((2, D, R), jnp.float32),
        pltpu.SemaphoreType.DMA,
        pltpu.SemaphoreType.DMA,
    ],
)
def _stage2(colsT, valsT, maskW, out, p_v, m_v, c_v, v_v, sem0, sem1):
    w = lax.axis_index("s") * NC + lax.axis_index("c")
    per = NBLK // NW
    zeros = jnp.zeros((L,), jnp.float32)
    rows_base = lax.iota(jnp.int32, L)
    sems = (sem0, sem1)

    def zrow(r, carry):
        def zcol(cg, carry2):
            p_v[r // R, r % R, pl.ds(cg * L, L)] = zeros
            return carry2

        lax.fori_loop(0, S // L, zcol, 0)
        return carry

    lax.fori_loop(0, 2 * R, zrow, 0)

    def blk2(t2, carry):
        for b in range(2):
            t = t2 * 2 + b
            g = w * per + t
            n = g // (S // R)
            i0 = (g % (S // R)) * R
            pb = p_v.at[b]
            cb = c_v.at[b]
            vb = v_v.at[b]

            @pl.when(t2 >= 1)
            def _wait_and_rezero():
                pltpu.make_async_copy(pb, out.at[n, pl.ds(i0, R)], sems[b]).wait()

                def rezero(it, carry2):
                    cc = cb[it, pl.ds(0, L)]
                    plsc.store_scatter(pb, [rows_base, cc], zeros)
                    return carry2

                lax.fori_loop(0, D, rezero, 0)

            pltpu.sync_copy(maskW.at[n, pl.ds(i0, R)], m_v)
            pltpu.sync_copy(colsT.at[n, :, pl.ds(i0, R)], cb)
            pltpu.sync_copy(valsT.at[n, :, pl.ds(i0, R)], vb)

            def scat(it, carry2):
                cc = cb[it, pl.ds(0, L)]
                vv = vb[it, pl.ds(0, L)]
                word = plsc.load_gather(m_v, [rows_base, cc >> 2])
                keep = ((word >> ((cc & 3) * 8)) & 1) == 0
                plsc.addupdate_scatter(pb, [rows_base, cc], vv, mask=keep)
                return carry2

            lax.fori_loop(0, D, scat, 0)
            pltpu.async_copy(pb, out.at[n, pl.ds(i0, R)], sems[b])
        return carry

    lax.fori_loop(0, per // 2, blk2, 0)
    gl = w * per
    nl = gl // (S // R)
    il = (gl % (S // R)) * R
    pltpu.make_async_copy(p_v.at[0], out.at[nl, pl.ds(il, R)], sem0).wait()
    pltpu.make_async_copy(p_v.at[1], out.at[nl, pl.ds(il, R)], sem1).wait()


def kernel(q, k, attn_mask):
    mask_shape = attn_mask.shape
    qT = q.reshape(N, S, D).transpose(0, 2, 1)
    kT = k.reshape(N, S, D).transpose(0, 2, 1)
    qiT = jnp.argsort(qT, axis=2).astype(jnp.int32)
    kiT = jnp.argsort(kT, axis=2).astype(jnp.int32)
    mu8 = attn_mask.reshape(N, S, S // 4, 4).astype(jnp.uint8)
    maskW = lax.bitcast_convert_type(mu8, jnp.int32)
    colsT, valsT = _stage1(qT, kT, qiT, kiT)
    out = _stage2(colsT, valsT, maskW)
    return out.reshape(mask_shape)

# --- scband reference (transcript-rebuilt; emitter-appended) ---
"""Pipeline reference for scband-swd-28449863369545 (READ-ONLY COPY).

The authoritative reference and input builder live on the scoring server;
editing this copy changes nothing except your own understanding.
"""

import jax, jax.numpy as jnp
import numpy as np


def setup_inputs(seed: int = 0) -> dict:
    key = jax.random.key(seed)
    k1, k2, k3 = jax.random.split(key, 3)
    q = jax.random.normal(k1, (1, 12, 2048, 64), dtype=jnp.float32)
    k = jax.random.normal(k2, (1, 12, 2048, 64), dtype=jnp.float32)
    attn_mask = jax.random.randint(k3, (1, 12, 2048, 2048), 0, 2).astype(jnp.bool_)
    return {"q": q, "k": k, "attn_mask": attn_mask}


def reference(q, k, attn_mask):
    mask_shape = attn_mask.shape
    S = q.shape[-2]
    Sk = k.shape[-2]
    d = q.shape[-1]
    qf = q.reshape(-1, S, d)
    kf = k.reshape(-1, Sk, d)
    N = qf.shape[0]
    # per-(batch*head), per-feature sort along the sequence dim
    q_idx = jnp.argsort(qf, axis=1)  # [N, S, d]
    k_idx = jnp.argsort(kf, axis=1)  # [N, Sk, d]
    q_sorted = jnp.take_along_axis(qf, q_idx, axis=1)  # [N, S, d]
    k_sorted = jnp.take_along_axis(kf, k_idx, axis=1)  # [N, Sk, d]
    # pi * exp(-|qi - ki|^2): pi is the permutation matrix matching sorted ranks,
    # so only entries (q_idx[j,di], k_idx[j,di]) are nonzero with value
    # exp(-(q_sorted[j,di] - k_sorted[j,di])^2); accumulate over di via scatter-add.
    vals = jnp.exp(-(q_sorted - k_sorted) ** 2)  # [N, S, d]
    flat_idx = (jnp.arange(N)[:, None, None] * (S * Sk) + q_idx * Sk + k_idx).reshape(-1)
    p = jnp.zeros(N * S * Sk, dtype=qf.dtype).at[flat_idx].add(vals.reshape(-1))
    p = p.reshape(N, S, Sk) / d
    mf = attn_mask.reshape(N, S, Sk)
    p = jnp.where(mf, jnp.zeros((), dtype=p.dtype), p)
    return p.reshape(mask_shape)

if __name__ == "__main__":
    import jax
    _d = setup_inputs()
    print(jax.jit(kernel)(*tuple(_d.values())))

</pallas_src>

<mosaic_0001>
#map = affine_map<(d0, d1) -> (0, 0, 0)>
module attributes {stable_mosaic.version = 14 : i64} {
  func.func @_stage1(%arg0: i32, %arg1: i32, %arg2: memref<12x64x2048xf32, #tpu.memory_space<hbm>>, %arg3: memref<12x64x2048xf32, #tpu.memory_space<hbm>>, %arg4: memref<12x64x2048xi32, #tpu.memory_space<hbm>>, %arg5: memref<12x64x2048xi32, #tpu.memory_space<hbm>>, %arg6: memref<12x64x2048xi32, #tpu.memory_space<hbm>>, %arg7: memref<12x64x2048xf32, #tpu.memory_space<hbm>>, %arg8: memref<2048xf32, #tpu.memory_space<vmem>>, %arg9: memref<2048xf32, #tpu.memory_space<vmem>>, %arg10: memref<2048xi32, #tpu.memory_space<vmem>>, %arg11: memref<2048xi32, #tpu.memory_space<vmem>>, %arg12: memref<2048xi32, #tpu.memory_space<vmem>>, %arg13: memref<2048xf32, #tpu.memory_space<vmem>>) attributes {dimension_semantics = [#tpu.dimension_semantics<core_parallel>, #tpu.dimension_semantics<subcore_parallel>], iteration_bounds = array<i64: 2, 16>, scalar_prefetch = 0 : i64, scratch_operands = 6 : i64, tpu.core_type = #tpu.core_type<sc_vector_subcore>, window_params = [{transform_indices = #map}, {transform_indices = #map}, {transform_indices = #map}, {transform_indices = #map}, {transform_indices = #map}, {transform_indices = #map}]} {
    %mul3A = arith.constant 2 : i32
    %mul3A_0 = arith.muli %arg1, %mul3A : i32
    %add3A = arith.addi %mul3A_0, %arg0 : i32
    %scan3A = arith.constant 0 : i32
    %scan3A_1 = arith.constant 0 : i32
    %scan3A_2 = arith.constant 24 : i32
    %scan3A_3 = arith.addi %scan3A_1, %scan3A_2 : i32
    %scan3A_4 = arith.constant 1 : i32
    scf.for %scan3A_6 = %scan3A_1 to %scan3A_3 step %scan3A_4  : i32 {
      %mul3A_7 = arith.constant 24 : i32
      %mul3A_8 = arith.muli %add3A, %mul3A_7 : i32
      %add3A_9 = arith.addi %mul3A_8, %scan3A_6 : i32
      %jit3A = arith.constant 64 : i32
      %div3A = arith.divsi %add3A_9, %jit3A : i32
      %sign3A = arith.constant 0 : i32
      %sign3A_10 = arith.cmpi sgt, %add3A_9, %sign3A : i32
      %sign3A_11 = arith.extui %sign3A_10 : i1 to i32
      %sign3A_12 = arith.constant 0 : i32
      %sign3A_13 = arith.cmpi slt, %add3A_9, %sign3A_12 : i32
      %sign3A_14 = arith.extui %sign3A_13 : i1 to i32
      %sign3A_15 = arith.subi %sign3A_11, %sign3A_14 : i32
      %sign3A_16 = arith.constant 0 : i32
      %sign3A_17 = arith.cmpi sgt, %jit3A, %sign3A_16 : i32
      %sign3A_18 = arith.extui %sign3A_17 : i1 to i32
      %sign3A_19 = arith.constant 0 : i32
      %sign3A_20 = arith.cmpi slt, %jit3A, %sign3A_19 : i32
      %sign3A_21 = arith.extui %sign3A_20 : i1 to i32
      %sign3A_22 = arith.subi %sign3A_18, %sign3A_21 : i32
      %ne3A = arith.cmpi ne, %sign3A_15, %sign3A_22 : i32
      %rem3A = arith.remsi %add3A_9, %jit3A : i32
      %ne3A_23 = arith.constant 0 : i32
      %ne3A_24 = arith.cmpi ne, %rem3A, %ne3A_23 : i32
      %and3A = arith.andi %ne3A, %ne3A_24 : i1
      %sub3A = arith.constant 1 : i32
      %sub3A_25 = arith.subi %div3A, %sub3A : i32
      %select_n3A = arith.select %and3A, %sub3A_25, %div3A : i32
      %jit3A_26 = arith.constant 64 : i32
      %eq3A = arith.constant 0 : i32
      %eq3A_27 = arith.cmpi eq, %jit3A_26, %eq3A : i32
      %jit3A_28 = arith.constant 1 : i32
      %select_n3A_29 = arith.select %eq3A_27, %jit3A_28, %jit3A_26 : i32
      %rem3A_30 = arith.remsi %add3A_9, %select_n3A_29 : i32
      %ne3A_31 = arith.constant 0 : i32
      %ne3A_32 = arith.cmpi ne, %rem3A_30, %ne3A_31 : i32
      %lt3A = arith.constant 0 : i32
      %lt3A_33 = arith.cmpi slt, %rem3A_30, %lt3A : i32
      %lt3A_34 = arith.constant 0 : i32
      %lt3A_35 = arith.cmpi slt, %select_n3A_29, %lt3A_34 : i32
      %ne3A_36 = arith.xori %lt3A_33, %lt3A_35 : i1
      %and3A_37 = arith.andi %ne3A_36, %ne3A_32 : i1
      %add3A_38 = arith.addi %rem3A_30, %select_n3A_29 : i32
      %select_n3A_39 = arith.select %and3A_37, %add3A_38, %rem3A_30 : i32
      "tpu.region"() ({
        %run_scoped3A = tpu.sem_alloc : memref<!tpu.dma_semaphore, #tpu.memory_space<semaphore_mem>>
        %dma_start3A = arith.constant 0 : i32
        %dma_start3A_46 = tpu.memref_slice %arg2[%select_n3A, %select_n3A_39, %dma_start3A] : memref<12x64x2048xf32, #tpu.memory_space<hbm>> -> memref<1x1x2048xf32, #tpu.memory_space<hbm>>
        %dma_start3A_47 = tpu.memref_squeeze %dma_start3A_46 : memref<1x1x2048xf32, #tpu.memory_space<hbm>> -> memref<2048xf32, #tpu.memory_space<hbm>>
        %dma_start3A_48 = arith.constant 0 : i32
        %dma_start3A_49 = tpu.memref_slice %arg2[%select_n3A, %select_n3A_39, %dma_start3A_48] : memref<12x64x2048xf32, #tpu.memory_space<hbm>> -> memref<1x1x2048xf32, #tpu.memory_space<hbm>>
        %dma_start3A_50 = tpu.memref_squeeze %dma_start3A_49 : memref<1x1x2048xf32, #tpu.memory_space<hbm>> -> memref<2048xf32, #tpu.memory_space<hbm>>
        tpu.enqueue_dma source(%dma_start3A_50 : memref<2048xf32, #tpu.memory_space<hbm>>) target(%arg8 : memref<2048xf32, #tpu.memory_space<vmem>>) target_semaphore(%run_scoped3A : memref<!tpu.dma_semaphore, #tpu.memory_space<semaphore_mem>>)
        %dma_wait3A = arith.constant 0 : i32
        %dma_wait3A_51 = tpu.memref_slice %arg2[%select_n3A, %select_n3A_39, %dma_wait3A] : memref<12x64x2048xf32, #tpu.memory_space<hbm>> -> memref<1x1x2048xf32, #tpu.memory_space<hbm>>
        %dma_wait3A_52 = tpu.memref_squeeze %dma_wait3A_51 : memref<1x1x2048xf32, #tpu.memory_space<hbm>> -> memref<2048xf32, #tpu.memory_space<hbm>>
        %dma_wait3A_53 = arith.constant 0 : i32
        %dma_wait3A_54 = tpu.memref_slice %arg2[%select_n3A, %select_n3A_39, %dma_wait3A_53] : memref<12x64x2048xf32, #tpu.memory_space<hbm>> -> memref<1x1x2048xf32, #tpu.memory_space<hbm>>
        %dma_wait3A_55 = tpu.memref_squeeze %dma_wait3A_54 : memref<1x1x2048xf32, #tpu.memory_space<hbm>> -> memref<2048xf32, #tpu.memory_space<hbm>>
        tpu.wait_dma2 semaphore(%run_scoped3A : memref<!tpu.dma_semaphore, #tpu.memory_space<semaphore_mem>>) src(%dma_wait3A_55 : memref<2048xf32, #tpu.memory_space<hbm>>) dst(%arg8 : memref<2048xf32, #tpu.memory_space<vmem>>)
        tpu.yield
      }) : () -> ()
      "tpu.region"() ({
        %run_scoped3A = tpu.sem_alloc : memref<!tpu.dma_semaphore, #tpu.memory_space<semaphore_mem>>
        %dma_start3A = arith.constant 0 : i32
        %dma_start3A_46 = tpu.memref_slice %arg3[%select_n3A, %select_n3A_39, %dma_start3A] : memref<12x64x2048xf32, #tpu.memory_space<hbm>> -> memref<1x1x2048xf32, #tpu.memory_space<hbm>>
        %dma_start3A_47 = tpu.memref_squeeze %dma_start3A_46 : memref<1x1x2048xf32, #tpu.memory_space<hbm>> -> memref<2048xf32, #tpu.memory_space<hbm>>
        %dma_start3A_48 = arith.constant 0 : i32
        %dma_start3A_49 = tpu.memref_slice %arg3[%select_n3A, %select_n3A_39, %dma_start3A_48] : memref<12x64x2048xf32, #tpu.memory_space<hbm>> -> memref<1x1x2048xf32, #tpu.memory_space<hbm>>
        %dma_start3A_50 = tpu.memref_squeeze %dma_start3A_49 : memref<1x1x2048xf32, #tpu.memory_space<hbm>> -> memref<2048xf32, #tpu.memory_space<hbm>>
        tpu.enqueue_dma source(%dma_start3A_50 : memref<2048xf32, #tpu.memory_space<hbm>>) target(%arg9 : memref<2048xf32, #tpu.memory_space<vmem>>) target_semaphore(%run_scoped3A : memref<!tpu.dma_semaphore, #tpu.memory_space<semaphore_mem>>)
        %dma_wait3A = arith.constant 0 : i32
        %dma_wait3A_51 = tpu.memref_slice %arg3[%select_n3A, %select_n3A_39, %dma_wait3A] : memref<12x64x2048xf32, #tpu.memory_space<hbm>> -> memref<1x1x2048xf32, #tpu.memory_space<hbm>>
        %dma_wait3A_52 = tpu.memref_squeeze %dma_wait3A_51 : memref<1x1x2048xf32, #tpu.memory_space<hbm>> -> memref<2048xf32, #tpu.memory_space<hbm>>
        %dma_wait3A_53 = arith.constant 0 : i32
        %dma_wait3A_54 = tpu.memref_slice %arg3[%select_n3A, %select_n3A_39, %dma_wait3A_53] : memref<12x64x2048xf32, #tpu.memory_space<hbm>> -> memref<1x1x2048xf32, #tpu.memory_space<hbm>>
        %dma_wait3A_55 = tpu.memref_squeeze %dma_wait3A_54 : memref<1x1x2048xf32, #tpu.memory_space<hbm>> -> memref<2048xf32, #tpu.memory_space<hbm>>
        tpu.wait_dma2 semaphore(%run_scoped3A : memref<!tpu.dma_semaphore, #tpu.memory_space<semaphore_mem>>) src(%dma_wait3A_55 : memref<2048xf32, #tpu.memory_space<hbm>>) dst(%arg9 : memref<2048xf32, #tpu.memory_space<vmem>>)
        tpu.yield
      }) : () -> ()
      "tpu.region"() ({
        %run_scoped3A = tpu.sem_alloc : memref<!tpu.dma_semaphore, #tpu.memory_space<semaphore_mem>>
        %dma_start3A = arith.constant 0 : i32
        %dma_start3A_46 = tpu.memref_slice %arg4[%select_n3A, %select_n3A_39, %dma_start3A] : memref<12x64x2048xi32, #tpu.memory_space<hbm>> -> memref<1x1x2048xi32, #tpu.memory_space<hbm>>
        %dma_start3A_47 = tpu.memref_squeeze %dma_start3A_46 : memref<1x1x2048xi32, #tpu.memory_space<hbm>> -> memref<2048xi32, #tpu.memory_space<hbm>>
        %dma_start3A_48 = arith.constant 0 : i32
        %dma_start3A_49 = tpu.memref_slice %arg4[%select_n3A, %select_n3A_39, %dma_start3A_48] : memref<12x64x2048xi32, #tpu.memory_space<hbm>> -> memref<1x1x2048xi32, #tpu.memory_space<hbm>>
        %dma_start3A_50 = tpu.memref_squeeze %dma_start3A_49 : memref<1x1x2048xi32, #tpu.memory_space<hbm>> -> memref<2048xi32, #tpu.memory_space<hbm>>
        tpu.enqueue_dma source(%dma_start3A_50 : memref<2048xi32, #tpu.memory_space<hbm>>) target(%arg10 : memref<2048xi32, #tpu.memory_space<vmem>>) target_semaphore(%run_scoped3A : memref<!tpu.dma_semaphore, #tpu.memory_space<semaphore_mem>>)
        %dma_wait3A = arith.constant 0 : i32
        %dma_wait3A_51 = tpu.memref_slice %arg4[%select_n3A, %select_n3A_39, %dma_wait3A] : memref<12x64x2048xi32, #tpu.memory_space<hbm>> -> memref<1x1x2048xi32, #tpu.memory_space<hbm>>
        %dma_wait3A_52 = tpu.memref_squeeze %dma_wait3A_51 : memref<1x1x2048xi32, #tpu.memory_space<hbm>> -> memref<2048xi32, #tpu.memory_space<hbm>>
        %dma_wait3A_53 = arith.constant 0 : i32
        %dma_wait3A_54 = tpu.memref_slice %arg4[%select_n3A, %select_n3A_39, %dma_wait3A_53] : memref<12x64x2048xi32, #tpu.memory_space<hbm>> -> memref<1x1x2048xi32, #tpu.memory_space<hbm>>
        %dma_wait3A_55 = tpu.memref_squeeze %dma_wait3A_54 : memref<1x1x2048xi32, #tpu.memory_space<hbm>> -> memref<2048xi32, #tpu.memory_space<hbm>>
        tpu.wait_dma2 semaphore(%run_scoped3A : memref<!tpu.dma_semaphore, #tpu.memory_space<semaphore_mem>>) src(%dma_wait3A_55 : memref<2048xi32, #tpu.memory_space<hbm>>) dst(%arg10 : memref<2048xi32, #tpu.memory_space<vmem>>)
        tpu.yield
      }) : () -> ()
      "tpu.region"() ({
        %run_scoped3A = tpu.sem_alloc : memref<!tpu.dma_semaphore, #tpu.memory_space<semaphore_mem>>
        %dma_start3A = arith.constant 0 : i32
        %dma_start3A_46 = tpu.memref_slice %arg5[%select_n3A, %select_n3A_39, %dma_start3A] : memref<12x64x2048xi32, #tpu.memory_space<hbm>> -> memref<1x1x2048xi32, #tpu.memory_space<hbm>>
        %dma_start3A_47 = tpu.memref_squeeze %dma_start3A_46 : memref<1x1x2048xi32, #tpu.memory_space<hbm>> -> memref<2048xi32, #tpu.memory_space<hbm>>
        %dma_start3A_48 = arith.constant 0 : i32
        %dma_start3A_49 = tpu.memref_slice %arg5[%select_n3A, %select_n3A_39, %dma_start3A_48] : memref<12x64x2048xi32, #tpu.memory_space<hbm>> -> memref<1x1x2048xi32, #tpu.memory_space<hbm>>
        %dma_start3A_50 = tpu.memref_squeeze %dma_start3A_49 : memref<1x1x2048xi32, #tpu.memory_space<hbm>> -> memref<2048xi32, #tpu.memory_space<hbm>>
        tpu.enqueue_dma source(%dma_start3A_50 : memref<2048xi32, #tpu.memory_space<hbm>>) target(%arg11 : memref<2048xi32, #tpu.memory_space<vmem>>) target_semaphore(%run_scoped3A : memref<!tpu.dma_semaphore, #tpu.memory_space<semaphore_mem>>)
        %dma_wait3A = arith.constant 0 : i32
        %dma_wait3A_51 = tpu.memref_slice %arg5[%select_n3A, %select_n3A_39, %dma_wait3A] : memref<12x64x2048xi32, #tpu.memory_space<hbm>> -> memref<1x1x2048xi32, #tpu.memory_space<hbm>>
        %dma_wait3A_52 = tpu.memref_squeeze %dma_wait3A_51 : memref<1x1x2048xi32, #tpu.memory_space<hbm>> -> memref<2048xi32, #tpu.memory_space<hbm>>
        %dma_wait3A_53 = arith.constant 0 : i32
        %dma_wait3A_54 = tpu.memref_slice %arg5[%select_n3A, %select_n3A_39, %dma_wait3A_53] : memref<12x64x2048xi32, #tpu.memory_space<hbm>> -> memref<1x1x2048xi32, #tpu.memory_space<hbm>>
        %dma_wait3A_55 = tpu.memref_squeeze %dma_wait3A_54 : memref<1x1x2048xi32, #tpu.memory_space<hbm>> -> memref<2048xi32, #tpu.memory_space<hbm>>
        tpu.wait_dma2 semaphore(%run_scoped3A : memref<!tpu.dma_semaphore, #tpu.memory_space<semaphore_mem>>) src(%dma_wait3A_55 : memref<2048xi32, #tpu.memory_space<hbm>>) dst(%arg11 : memref<2048xi32, #tpu.memory_space<vmem>>)
        tpu.yield
      }) : () -> ()
      %scan3A_40 = arith.constant 0 : i32
      %scan3A_41 = arith.constant 0 : i32
      %scan3A_42 = arith.constant 128 : i32
      %scan3A_43 = arith.addi %scan3A_41, %scan3A_42 : i32
      %scan3A_44 = arith.constant 1 : i32
      scf.for %scan3A_46 = %scan3A_41 to %scan3A_43 step %scan3A_44  : i32 {
        %mul3A_47 = arith.constant 16 : i32
        %mul3A_48 = arith.muli %scan3A_46, %mul3A_47 : i32
        %get3A = arith.index_cast %mul3A_48 : i32 to index
        %get3A_49 = tpu.vector_load %arg10[%get3A] {strides = array<i32>} : memref<2048xi32, #tpu.memory_space<vmem>>, vector<16xi32>,
        %mul3A_50 = arith.constant 16 : i32
        %mul3A_51 = arith.muli %scan3A_46, %mul3A_50 : i32
        %get3A_52 = arith.index_cast %mul3A_51 : i32 to index
        %get3A_53 = tpu.vector_load %arg11[%get3A_52] {strides = array<i32>} : memref<2048xi32, #tpu.memory_space<vmem>>, vector<16xi32>,
        %gather3A = tpu.vector_load_idx %arg8[%get3A_49] : memref<2048xf32, #tpu.memory_space<vmem>>[vector<16xi32>], vector<16xf32>,
        %gather3A_54 = tpu.vector_load_idx %arg9[%get3A_53] : memref<2048xf32, #tpu.memory_space<vmem>>[vector<16xi32>], vector<16xf32>,
        %sub3A_55 = arith.subf %gather3A, %gather3A_54 : vector<16xf32>
        %mul3A_56 = arith.mulf %sub3A_55, %sub3A_55 : vector<16xf32>
        %neg3A = arith.constant 0.000000e+00 : f32
        %neg3A_57 = vector.broadcast %neg3A : f32 to vector<16xf32>
        %neg3A_58 = arith.subf %neg3A_57, %mul3A_56 : vector<16xf32>
        %exp3A = math.exp %neg3A_58 : vector<16xf32>
        %mul3A_59 = arith.constant 1.562500e-02 : f32
        %mul3A_60 = vector.broadcast %mul3A_59 : f32 to vector<16xf32>
        %mul3A_61 = arith.mulf %exp3A, %mul3A_60 : vector<16xf32>
        tpu.vector_store_idx %arg12[%get3A_49], %get3A_53 : memref<2048xi32, #tpu.memory_space<vmem>>[vector<16xi32>], vector<16xi32>,
        tpu.vector_store_idx %arg13[%get3A_49], %mul3A_61 : memref<2048xf32, #tpu.memory_space<vmem>>[vector<16xi32>], vector<16xf32>,
      }
      %scan3A_45 = arith.constant 128 : i32
      "tpu.region"() ({
        %run_scoped3A = tpu.sem_alloc : memref<!tpu.dma_semaphore, #tpu.memory_space<semaphore_mem>>
        %dma_start3A = arith.constant 0 : i32
        %dma_start3A_46 = tpu.memref_slice %arg6[%select_n3A, %select_n3A_39, %dma_start3A] : memref<12x64x2048xi32, #tpu.memory_space<hbm>> -> memref<1x1x2048xi32, #tpu.memory_space<hbm>>
        %dma_start3A_47 = tpu.memref_squeeze %dma_start3A_46 : memref<1x1x2048xi32, #tpu.memory_space<hbm>> -> memref<2048xi32, #tpu.memory_space<hbm>>
        %dma_start3A_48 = arith.constant 0 : i32
        %dma_start3A_49 = tpu.memref_slice %arg6[%select_n3A, %select_n3A_39, %dma_start3A_48] : memref<12x64x2048xi32, #tpu.memory_space<hbm>> -> memref<1x1x2048xi32, #tpu.memory_space<hbm>>
        %dma_start3A_50 = tpu.memref_squeeze %dma_start3A_49 : memref<1x1x2048xi32, #tpu.memory_space<hbm>> -> memref<2048xi32, #tpu.memory_space<hbm>>
        tpu.enqueue_dma source(%arg12 : memref<2048xi32, #tpu.memory_space<vmem>>) target(%dma_start3A_50 : memref<2048xi32, #tpu.memory_space<hbm>>) target_semaphore(%run_scoped3A : memref<!tpu.dma_semaphore, #tpu.memory_space<semaphore_mem>>)
        %dma_wait3A = arith.constant 0 : i32
        %dma_wait3A_51 = tpu.memref_slice %arg6[%select_n3A, %select_n3A_39, %dma_wait3A] : memref<12x64x2048xi32, #tpu.memory_space<hbm>> -> memref<1x1x2048xi32, #tpu.memory_space<hbm>>
        %dma_wait3A_52 = tpu.memref_squeeze %dma_wait3A_51 : memref<1x1x2048xi32, #tpu.memory_space<hbm>> -> memref<2048xi32, #tpu.memory_space<hbm>>
        %dma_wait3A_53 = arith.constant 0 : i32
        %dma_wait3A_54 = tpu.memref_slice %arg6[%select_n3A, %select_n3A_39, %dma_wait3A_53] : memref<12x64x2048xi32, #tpu.memory_space<hbm>> -> memref<1x1x2048xi32, #tpu.memory_space<hbm>>
        %dma_wait3A_55 = tpu.memref_squeeze %dma_wait3A_54 : memref<1x1x2048xi32, #tpu.memory_space<hbm>> -> memref<2048xi32, #tpu.memory_space<hbm>>
        tpu.wait_dma2 semaphore(%run_scoped3A : memref<!tpu.dma_semaphore, #tpu.memory_space<semaphore_mem>>) src(%arg12 : memref<2048xi32, #tpu.memory_space<vmem>>) dst(%dma_wait3A_55 : memref<2048xi32, #tpu.memory_space<hbm>>)
        tpu.yield
      }) : () -> ()
      "tpu.region"() ({
        %run_scoped3A = tpu.sem_alloc : memref<!tpu.dma_semaphore, #tpu.memory_space<semaphore_mem>>
        %dma_start3A = arith.constant 0 : i32
        %dma_start3A_46 = tpu.memref_slice %arg7[%select_n3A, %select_n3A_39, %dma_start3A] : memref<12x64x2048xf32, #tpu.memory_space<hbm>> -> memref<1x1x2048xf32, #tpu.memory_space<hbm>>
        %dma_start3A_47 = tpu.memref_squeeze %dma_start3A_46 : memref<1x1x2048xf32, #tpu.memory_space<hbm>> -> memref<2048xf32, #tpu.memory_space<hbm>>
        %dma_start3A_48 = arith.constant 0 : i32
        %dma_start3A_49 = tpu.memref_slice %arg7[%select_n3A, %select_n3A_39, %dma_start3A_48] : memref<12x64x2048xf32, #tpu.memory_space<hbm>> -> memref<1x1x2048xf32, #tpu.memory_space<hbm>>
        %dma_start3A_50 = tpu.memref_squeeze %dma_start3A_49 : memref<1x1x2048xf32, #tpu.memory_space<hbm>> -> memref<2048xf32, #tpu.memory_space<hbm>>
        tpu.enqueue_dma source(%arg13 : memref<2048xf32, #tpu.memory_space<vmem>>) target(%dma_start3A_50 : memref<2048xf32, #tpu.memory_space<hbm>>) target_semaphore(%run_scoped3A : memref<!tpu.dma_semaphore, #tpu.memory_space<semaphore_mem>>)
        %dma_wait3A = arith.constant 0 : i32
        %dma_wait3A_51 = tpu.memref_slice %arg7[%select_n3A, %select_n3A_39, %dma_wait3A] : memref<12x64x2048xf32, #tpu.memory_space<hbm>> -> memref<1x1x2048xf32, #tpu.memory_space<hbm>>
        %dma_wait3A_52 = tpu.memref_squeeze %dma_wait3A_51 : memref<1x1x2048xf32, #tpu.memory_space<hbm>> -> memref<2048xf32, #tpu.memory_space<hbm>>
        %dma_wait3A_53 = arith.constant 0 : i32
        %dma_wait3A_54 = tpu.memref_slice %arg7[%select_n3A, %select_n3A_39, %dma_wait3A_53] : memref<12x64x2048xf32, #tpu.memory_space<hbm>> -> memref<1x1x2048xf32, #tpu.memory_space<hbm>>
        %dma_wait3A_55 = tpu.memref_squeeze %dma_wait3A_54 : memref<1x1x2048xf32, #tpu.memory_space<hbm>> -> memref<2048xf32, #tpu.memory_space<hbm>>
        tpu.wait_dma2 semaphore(%run_scoped3A : memref<!tpu.dma_semaphore, #tpu.memory_space<semaphore_mem>>) src(%arg13 : memref<2048xf32, #tpu.memory_space<vmem>>) dst(%dma_wait3A_55 : memref<2048xf32, #tpu.memory_space<hbm>>)
        tpu.yield
      }) : () -> ()
    }
    %scan3A_5 = arith.constant 24 : i32
    return
  }
}

#map = affine_map<(d0, d1) -> (0, 0, 0)>
module attributes {stable_mosaic.version = 14 : i64} {
  func.func @_stage2(%arg0: i32, %arg1: i32, %arg2: memref<12x64x2048xi32, #tpu.memory_space<hbm>>, %arg3: memref<12x64x2048xf32, #tpu.memory_space<hbm>>, %arg4: memref<12x2048x512xi32, #tpu.memory_space<hbm>>, %arg5: memref<12x2048x2048xf32, #tpu.memory_space<hbm>>, %arg6: memref<2x16x2048xf32, #tpu.memory_space<vmem>>, %arg7: memref<16x512xi32, #tpu.memory_space<vmem>>, %arg8: memref<2x64x16xi32, #tpu.memory_space<vmem>>, %arg9: memref<2x64x16xf32, #tpu.memory_space<vmem>>, %arg10: memref<!tpu.dma_semaphore, #tpu.memory_space<semaphore_mem>>, %arg11: memref<!tpu.dma_semaphore, #tpu.memory_space<semaphore_mem>>) attributes {dimension_semantics = [#tpu.dimension_semantics<core_parallel>, #tpu.dimension_semantics<subcore_parallel>], iteration_bounds = array<i64: 2, 16>, scalar_prefetch = 0 : i64, scratch_operands = 6 : i64, tpu.core_type = #tpu.core_type<sc_vector_subcore>, window_params = [{transform_indices = #map}, {transform_indices = #map}, {transform_indices = #map}, {transform_indices = #map}]} {
    %mul3A = arith.constant 2 : i32
    %mul3A_0 = arith.muli %arg1, %mul3A : i32
    %add3A = arith.addi %mul3A_0, %arg0 : i32
    %broadcast_in_dim3A = arith.constant 0.000000e+00 : f32
    %broadcast_in_dim3A_1 = vector.broadcast %broadcast_in_dim3A : f32 to vector<16xf32>
    %iota3A = tpu.iota {dimensions = array<i32: 0>} : vector<16xi32>
    %scan3A = arith.constant 0 : i32
    %scan3A_2 = arith.constant 0 : i32
    %scan3A_3 = arith.constant 32 : i32
    %scan3A_4 = arith.addi %scan3A_2, %scan3A_3 : i32
    %scan3A_5 = arith.constant 1 : i32
    scf.for %scan3A_76 = %scan3A_2 to %scan3A_4 step %scan3A_5  : i32 {
      %scan3A_77 = arith.constant 0 : i32
      %scan3A_78 = arith.constant 0 : i32
      %scan3A_79 = arith.constant 128 : i32
      %scan3A_80 = arith.addi %scan3A_78, %scan3A_79 : i32
      %scan3A_81 = arith.constant 1 : i32
      scf.for %scan3A_83 = %scan3A_78 to %scan3A_80 step %scan3A_81  : i32 {
        %jit3A_84 = arith.constant 16 : i32
        %div3A_85 = arith.divsi %scan3A_76, %jit3A_84 : i32
        %sign3A_86 = arith.constant 0 : i32
        %sign3A_87 = arith.cmpi sgt, %scan3A_76, %sign3A_86 : i32
        %sign3A_88 = arith.extui %sign3A_87 : i1 to i32
        %sign3A_89 = arith.constant 0 : i32
        %sign3A_90 = arith.cmpi slt, %scan3A_76, %sign3A_89 : i32
        %sign3A_91 = arith.extui %sign3A_90 : i1 to i32
        %sign3A_92 = arith.subi %sign3A_88, %sign3A_91 : i32
        %sign3A_93 = arith.constant 0 : i32
        %sign3A_94 = arith.cmpi sgt, %jit3A_84, %sign3A_93 : i32
        %sign3A_95 = arith.extui %sign3A_94 : i1 to i32
        %sign3A_96 = arith.constant 0 : i32
        %sign3A_97 = arith.cmpi slt, %jit3A_84, %sign3A_96 : i32
        %sign3A_98 = arith.extui %sign3A_97 : i1 to i32
        %sign3A_99 = arith.subi %sign3A_95, %sign3A_98 : i32
        %ne3A_100 = arith.cmpi ne, %sign3A_92, %sign3A_99 : i32
        %rem3A_101 = arith.remsi %scan3A_76, %jit3A_84 : i32
        %ne3A_102 = arith.constant 0 : i32
        %ne3A_103 = arith.cmpi ne, %rem3A_101, %ne3A_102 : i32
        %and3A_104 = arith.andi %ne3A_100, %ne3A_103 : i1
        %sub3A_105 = arith.constant 1 : i32
        %sub3A_106 = arith.subi %div3A_85, %sub3A_105 : i32
        %select_n3A_107 = arith.select %and3A_104, %sub3A_106, %div3A_85 : i32
        %jit3A_108 = arith.constant 16 : i32
        %eq3A_109 = arith.constant 0 : i32
        %eq3A_110 = arith.cmpi eq, %jit3A_108, %eq3A_109 : i32
        %jit3A_111 = arith.constant 1 : i32
        %select_n3A_112 = arith.select %eq3A_110, %jit3A_111, %jit3A_108 : i32
        %rem3A_113 = arith.remsi %scan3A_76, %select_n3A_112 : i32
        %ne3A_114 = arith.constant 0 : i32
        %ne3A_115 = arith.cmpi ne, %rem3A_113, %ne3A_114 : i32
        %lt3A_116 = arith.constant 0 : i32
        %lt3A_117 = arith.cmpi slt, %rem3A_113, %lt3A_116 : i32
        %lt3A_118 = arith.constant 0 : i32
        %lt3A_119 = arith.cmpi slt, %select_n3A_112, %lt3A_118 : i32
        %ne3A_120 = arith.xori %lt3A_117, %lt3A_119 : i1
        %and3A_121 = arith.andi %ne3A_120, %ne3A_115 : i1
        %add3A_122 = arith.addi %rem3A_113, %select_n3A_112 : i32
        %select_n3A_123 = arith.select %and3A_121, %add3A_122, %rem3A_113 : i32
        %mul3A_124 = arith.constant 16 : i32
        %mul3A_125 = arith.muli %scan3A_83, %mul3A_124 : i32
        %swap3A = arith.index_cast %select_n3A_107 : i32 to index
        %swap3A_126 = arith.index_cast %select_n3A_123 : i32 to index
        %swap3A_127 = arith.index_cast %mul3A_125 : i32 to index
        %swap3A_128 = tpu.vector_load %arg6[%swap3A, %swap3A_126, %swap3A_127] {strides = array<i32>} : memref<2x16x2048xf32, #tpu.memory_space<vmem>>, vector<16xf32>,
        tpu.vector_store %arg6[%swap3A, %swap3A_126, %swap3A_127], %broadcast_in_dim3A_1 {strides = array<i32>} : memref<2x16x2048xf32, #tpu.memory_space<vmem>>, vector<16xf32>,
      }
      %scan3A_82 = arith.constant 128 : i32
    }
    %scan3A_6 = arith.constant 32 : i32
    %scan3A_7 = arith.constant 0 : i32
    %scan3A_8 = arith.constant 0 : i32
    %scan3A_9 = arith.constant 24 : i32
    %scan3A_10 = arith.addi %scan3A_8, %scan3A_9 : i32
    %scan3A_11 = arith.constant 1 : i32
    scf.for %scan3A_76 = %scan3A_8 to %scan3A_10 step %scan3A_11  : i32 {
      %mul3A_77 = arith.constant 2 : i32
      %mul3A_78 = arith.muli %scan3A_76, %mul3A_77 : i32
      %add3A_79 = arith.constant 0 : i32
      %add3A_80 = arith.addi %mul3A_78, %add3A_79 : i32
      %mul3A_81 = arith.constant 48 : i32
      %mul3A_82 = arith.muli %add3A, %mul3A_81 : i32
      %add3A_83 = arith.addi %mul3A_82, %add3A_80 : i32
      %jit3A_84 = arith.constant 128 : i32
      %div3A_85 = arith.divsi %add3A_83, %jit3A_84 : i32
      %sign3A_86 = arith.constant 0 : i32
      %sign3A_87 = arith.cmpi sgt, %add3A_83, %sign3A_86 : i32
      %sign3A_88 = arith.extui %sign3A_87 : i1 to i32
      %sign3A_89 = arith.constant 0 : i32
      %sign3A_90 = arith.cmpi slt, %add3A_83, %sign3A_89 : i32
      %sign3A_91 = arith.extui %sign3A_90 : i1 to i32
      %sign3A_92 = arith.subi %sign3A_88, %sign3A_91 : i32
      %sign3A_93 = arith.constant 0 : i32
      %sign3A_94 = arith.cmpi sgt, %jit3A_84, %sign3A_93 : i32
      %sign3A_95 = arith.extui %sign3A_94 : i1 to i32
      %sign3A_96 = arith.constant 0 : i32
      %sign3A_97 = arith.cmpi slt, %jit3A_84, %sign3A_96 : i32
      %sign3A_98 = arith.extui %sign3A_97 : i1 to i32
      %sign3A_99 = arith.subi %sign3A_95, %sign3A_98 : i32
      %ne3A_100 = arith.cmpi ne, %sign3A_92, %sign3A_99 : i32
      %rem3A_101 = arith.remsi %add3A_83, %jit3A_84 : i32
      %ne3A_102 = arith.constant 0 : i32
      %ne3A_103 = arith.cmpi ne, %rem3A_101, %ne3A_102 : i32
      %and3A_104 = arith.andi %ne3A_100, %ne3A_103 : i1
      %sub3A_105 = arith.constant 1 : i32
      %sub3A_106 = arith.subi %div3A_85, %sub3A_105 : i32
      %select_n3A_107 = arith.select %and3A_104, %sub3A_106, %div3A_85 : i32
      %jit3A_108 = arith.constant 128 : i32
      %eq3A_109 = arith.constant 0 : i32
      %eq3A_110 = arith.cmpi eq, %jit3A_108, %eq3A_109 : i32
      %jit3A_111 = arith.constant 1 : i32
      %select_n3A_112 = arith.select %eq3A_110, %jit3A_111, %jit3A_108 : i32
      %rem3A_113 = arith.remsi %add3A_83, %select_n3A_112 : i32
      %ne3A_114 = arith.constant 0 : i32
      %ne3A_115 = arith.cmpi ne, %rem3A_113, %ne3A_114 : i32
      %lt3A_116 = arith.constant 0 : i32
      %lt3A_117 = arith.cmpi slt, %rem3A_113, %lt3A_116 : i32
      %lt3A_118 = arith.constant 0 : i32
      %lt3A_119 = arith.cmpi slt, %select_n3A_112, %lt3A_118 : i32
      %ne3A_120 = arith.xori %lt3A_117, %lt3A_119 : i1
      %and3A_121 = arith.andi %ne3A_120, %ne3A_115 : i1
      %add3A_122 = arith.addi %rem3A_113, %select_n3A_112 : i32
      %select_n3A_123 = arith.select %and3A_121, %add3A_122, %rem3A_113 : i32
      %mul3A_124 = arith.constant 16 : i32
      %mul3A_125 = arith.muli %select_n3A_123, %mul3A_124 : i32
      %ge3A = arith.constant 1 : i32
      %ge3A_126 = arith.cmpi sge, %scan3A_76, %ge3A : i32
      %convert_element_type3A = arith.extui %ge3A_126 : i1 to i32
      %cond3A = arith.constant 0 : i32
      %cond3A_127 = arith.constant 0 : i32
      %cond3A_128 = arith.constant 0 : i32
      %cond3A_129 = arith.cmpi ne, %convert_element_type3A, %cond3A_128 : i32
      scf.if %cond3A_129 {
        %dma_wait3A_236 = arith.constant 0 : i32
        %dma_wait3A_237 = arith.constant 0 : i32
        %dma_wait3A_238 = tpu.memref_slice %arg6[%cond3A, %dma_wait3A_236, %dma_wait3A_237] : memref<2x16x2048xf32, #tpu.memory_space<vmem>> -> memref<1x16x2048xf32, #tpu.memory_space<vmem>>
        %dma_wait3A_239 = tpu.memref_squeeze %dma_wait3A_238 : memref<1x16x2048xf32, #tpu.memory_space<vmem>> -> memref<16x2048xf32, #tpu.memory_space<vmem>>
        %dma_wait3A_240 = arith.constant 0 : i32
        %dma_wait3A_241 = tpu.memref_slice %arg5[%select_n3A_107, %mul3A_125, %dma_wait3A_240] : memref<12x2048x2048xf32, #tpu.memory_space<hbm>> -> memref<1x16x2048xf32, #tpu.memory_space<hbm>>
        %dma_wait3A_242 = tpu.memref_squeeze %dma_wait3A_241 : memref<1x16x2048xf32, #tpu.memory_space<hbm>> -> memref<16x2048xf32, #tpu.memory_space<hbm>>
        %dma_wait3A_243 = arith.constant 0 : i32
        %dma_wait3A_244 = tpu.memref_slice %arg5[%select_n3A_107, %mul3A_125, %dma_wait3A_243] : memref<12x2048x2048xf32, #tpu.memory_space<hbm>> -> memref<1x16x2048xf32, #tpu.memory_space<hbm>>
        %dma_wait3A_245 = tpu.memref_squeeze %dma_wait3A_244 : memref<1x16x2048xf32, #tpu.memory_space<hbm>> -> memref<16x2048xf32, #tpu.memory_space<hbm>>
        %dma_wait3A_246 = arith.constant 0 : i32
        %dma_wait3A_247 = arith.constant 0 : i32
        %dma_wait3A_248 = tpu.memref_slice %arg6[%cond3A, %dma_wait3A_246, %dma_wait3A_247] : memref<2x16x2048xf32, #tpu.memory_space<vmem>> -> memref<1x16x2048xf32, #tpu.memory_space<vmem>>
        %dma_wait3A_249 = tpu.memref_squeeze %dma_wait3A_248 : memref<1x16x2048xf32, #tpu.memory_space<vmem>> -> memref<16x2048xf32, #tpu.memory_space<vmem>>
        tpu.wait_dma2 semaphore(%arg10 : memref<!tpu.dma_semaphore, #tpu.memory_space<semaphore_mem>>) src(%dma_wait3A_249 : memref<16x2048xf32, #tpu.memory_space<vmem>>) dst(%dma_wait3A_245 : memref<16x2048xf32, #tpu.memory_space<hbm>>)
        %scan3A_250 = arith.constant 0 : i32
        %scan3A_251 = arith.constant 0 : i32
        %scan3A_252 = arith.constant 64 : i32
        %scan3A_253 = arith.addi %scan3A_251, %scan3A_252 : i32
        %scan3A_254 = arith.constant 1 : i32
        scf.for %scan3A_256 = %scan3A_251 to %scan3A_253 step %scan3A_254  : i32 {
          %get3A = arith.constant 0 : i32
          %get3A_257 = arith.constant 0 : i32
          %get3A_258 = tpu.memref_slice %arg8[%cond3A_127, %get3A, %get3A_257] : memref<2x64x16xi32, #tpu.memory_space<vmem>> -> memref<1x64x16xi32, #tpu.memory_space<vmem>>
          %get3A_259 = tpu.memref_squeeze %get3A_258 : memref<1x64x16xi32, #tpu.memory_space<vmem>> -> memref<64x16xi32, #tpu.memory_space<vmem>>
          %get3A_260 = arith.index_cast %scan3A_256 : i32 to index
          %get3A_261 = arith.constant 0 : index
          %get3A_262 = tpu.vector_load %get3A_259[%get3A_260, %get3A_261] {strides = array<i32>} : memref<64x16xi32, #tpu.memory_space<vmem>>, vector<16xi32>,
          %scatter3A = arith.constant 0 : i32
          %scatter3A_263 = arith.constant 0 : i32
          %scatter3A_264 = tpu.memref_slice %arg6[%cond3A, %scatter3A, %scatter3A_263] : memref<2x16x2048xf32, #tpu.memory_space<vmem>> -> memref<1x16x2048xf32, #tpu.memory_space<vmem>>
          %scatter3A_265 = tpu.memref_squeeze %scatter3A_264 : memref<1x16x2048xf32, #tpu.memory_space<vmem>> -> memref<16x2048xf32, #tpu.memory_space<vmem>>
          tpu.vector_store_idx %scatter3A_265[%iota3A, %get3A_262], %broadcast_in_dim3A_1 : memref<16x2048xf32, #tpu.memory_space<vmem>>[vector<16xi32>, vector<16xi32>], vector<16xf32>,
        }
        %scan3A_255 = arith.constant 64 : i32
      } else {
      }
      "tpu.region"() ({
        %run_scoped3A_236 = tpu.sem_alloc : memref<!tpu.dma_semaphore, #tpu.memory_space<semaphore_mem>>
        %dma_start3A_237 = arith.constant 0 : i32
        %dma_start3A_238 = tpu.memref_slice %arg4[%select_n3A_107, %mul3A_125, %dma_start3A_237] : memref<12x2048x512xi32, #tpu.memory_space<hbm>> -> memref<1x16x512xi32, #tpu.memory_space<hbm>>
        %dma_start3A_239 = tpu.memref_squeeze %dma_start3A_238 : memref<1x16x512xi32, #tpu.memory_space<hbm>> -> memref<16x512xi32, #tpu.memory_space<hbm>>
        %dma_start3A_240 = arith.constant 0 : i32
        %dma_start3A_241 = tpu.memref_slice %arg4[%select_n3A_107, %mul3A_125, %dma_start3A_240] : memref<12x2048x512xi32, #tpu.memory_space<hbm>> -> memref<1x16x512xi32, #tpu.memory_space<hbm>>
        %dma_start3A_242 = tpu.memref_squeeze %dma_start3A_241 : memref<1x16x512xi32, #tpu.memory_space<hbm>> -> memref<16x512xi32, #tpu.memory_space<hbm>>
        tpu.enqueue_dma source(%dma_start3A_242 : memref<16x512xi32, #tpu.memory_space<hbm>>) target(%arg7 : memref<16x512xi32, #tpu.memory_space<vmem>>) target_semaphore(%run_scoped3A_236 : memref<!tpu.dma_semaphore, #tpu.memory_space<semaphore_mem>>)
        %dma_wait3A_243 = arith.constant 0 : i32
        %dma_wait3A_244 = tpu.memref_slice %arg4[%select_n3A_107, %mul3A_125, %dma_wait3A_243] : memref<12x2048x512xi32, #tpu.memory_space<hbm>> -> memref<1x16x512xi32, #tpu.memory_space<hbm>>
        %dma_wait3A_245 = tpu.memref_squeeze %dma_wait3A_244 : memref<1x16x512xi32, #tpu.memory_space<hbm>> -> memref<16x512xi32, #tpu.memory_space<hbm>>
        %dma_wait3A_246 = arith.constant 0 : i32
        %dma_wait3A_247 = tpu.memref_slice %arg4[%select_n3A_107, %mul3A_125, %dma_wait3A_246] : memref<12x2048x512xi32, #tpu.memory_space<hbm>> -> memref<1x16x512xi32, #tpu.memory_space<hbm>>
        %dma_wait3A_248 = tpu.memref_squeeze %dma_wait3A_247 : memref<1x16x512xi32, #tpu.memory_space<hbm>> -> memref<16x512xi32, #tpu.memory_space<hbm>>
        tpu.wait_dma2 semaphore(%run_scoped3A_236 : memref<!tpu.dma_semaphore, #tpu.memory_space<semaphore_mem>>) src(%dma_wait3A_248 : memref<16x512xi32, #tpu.memory_space<hbm>>) dst(%arg7 : memref<16x512xi32, #tpu.memory_space<vmem>>)
        tpu.yield
      }) : () -> ()
      %run_scoped3A = arith.constant 0 : i32
      "tpu.region"() ({
        %run_scoped3A_236 = tpu.sem_alloc : memref<!tpu.dma_semaphore, #tpu.memory_space<semaphore_mem>>
        %dma_start3A_237 = arith.constant 0 : i32
        %dma_start3A_238 = arith.constant 0 : i32
        %dma_start3A_239 = tpu.memref_slice %arg8[%run_scoped3A, %dma_start3A_237, %dma_start3A_238] : memref<2x64x16xi32, #tpu.memory_space<vmem>> -> memref<1x64x16xi32, #tpu.memory_space<vmem>>
        %dma_start3A_240 = tpu.memref_squeeze %dma_start3A_239 : memref<1x64x16xi32, #tpu.memory_space<vmem>> -> memref<64x16xi32, #tpu.memory_space<vmem>>
        %dma_start3A_241 = arith.constant 0 : i32
        %dma_start3A_242 = tpu.memref_slice %arg2[%select_n3A_107, %dma_start3A_241, %mul3A_125] : memref<12x64x2048xi32, #tpu.memory_space<hbm>> -> memref<1x64x16xi32, #tpu.memory_space<hbm>>
        %dma_start3A_243 = tpu.memref_squeeze %dma_start3A_242 : memref<1x64x16xi32, #tpu.memory_space<hbm>> -> memref<64x16xi32, #tpu.memory_space<hbm>>
        %dma_start3A_244 = arith.constant 0 : i32
        %dma_start3A_245 = arith.constant 0 : i32
        %dma_start3A_246 = tpu.memref_slice %arg8[%run_scoped3A, %dma_start3A_244, %dma_start3A_245] : memref<2x64x16xi32, #tpu.memory_space<vmem>> -> memref<1x64x16xi32, #tpu.memory_space<vmem>>
        %dma_start3A_247 = tpu.memref_squeeze %dma_start3A_246 : memref<1x64x16xi32, #tpu.memory_space<vmem>> -> memref<64x16xi32, #tpu.memory_space<vmem>>
        %dma_start3A_248 = arith.constant 0 : i32
        %dma_start3A_249 = tpu.memref_slice %arg2[%select_n3A_107, %dma_start3A_248, %mul3A_125] : memref<12x64x2048xi32, #tpu.memory_space<hbm>> -> memref<1x64x16xi32, #tpu.memory_space<hbm>>
        %dma_start3A_250 = tpu.memref_squeeze %dma_start3A_249 : memref<1x64x16xi32, #tpu.memory_space<hbm>> -> memref<64x16xi32, #tpu.memory_space<hbm>>
        tpu.enqueue_dma source(%dma_start3A_250 : memref<64x16xi32, #tpu.memory_space<hbm>>) target(%dma_start3A_247 : memref<64x16xi32, #tpu.memory_space<vmem>>) target_semaphore(%run_scoped3A_236 : memref<!tpu.dma_semaphore, #tpu.memory_space<semaphore_mem>>)
        %dma_wait3A_251 = arith.constant 0 : i32
        %dma_wait3A_252 = arith.constant 0 : i32
        %dma_wait3A_253 = tpu.memref_slice %arg8[%run_scoped3A, %dma_wait3A_251, %dma_wait3A_252] : memref<2x64x16xi32, #tpu.memory_space<vmem>> -> memref<1x64x16xi32, #tpu.memory_space<vmem>>
        %dma_wait3A_254 = tpu.memref_squeeze %dma_wait3A_253 : memref<1x64x16xi32, #tpu.memory_space<vmem>> -> memref<64x16xi32, #tpu.memory_space<vmem>>
        %dma_wait3A_255 = arith.constant 0 : i32
        %dma_wait3A_256 = tpu.memref_slice %arg2[%select_n3A_107, %dma_wait3A_255, %mul3A_125] : memref<12x64x2048xi32, #tpu.memory_space<hbm>> -> memref<1x64x16xi32, #tpu.memory_space<hbm>>
        %dma_wait3A_257 = tpu.memref_squeeze %dma_wait3A_256 : memref<1x64x16xi32, #tpu.memory_space<hbm>> -> memref<64x16xi32, #tpu.memory_space<hbm>>
        %dma_wait3A_258 = arith.constant 0 : i32
        %dma_wait3A_259 = arith.constant 0 : i32
        %dma_wait3A_260 = tpu.memref_slice %arg8[%run_scoped3A, %dma_wait3A_258, %dma_wait3A_259] : memref<2x64x16xi32, #tpu.memory_space<vmem>> -> memref<1x64x16xi32, #tpu.memory_space<vmem>>
        %dma_wait3A_261 = tpu.memref_squeeze %dma_wait3A_260 : memref<1x64x16xi32, #tpu.memory_space<vmem>> -> memref<64x16xi32, #tpu.memory_space<vmem>>
        %dma_wait3A_262 = arith.constant 0 : i32
        %dma_wait3A_263 = tpu.memref_slice %arg2[%select_n3A_107, %dma_wait3A_262, %mul3A_125] : memref<12x64x2048xi32, #tpu.memory_space<hbm>> -> memref<1x64x16xi32, #tpu.memory_space<hbm>>
        %dma_wait3A_264 = tpu.memref_squeeze %dma_wait3A_263 : memref<1x64x16xi32, #tpu.memory_space<hbm>> -> memref<64x16xi32, #tpu.memory_space<hbm>>
        tpu.wait_dma2 semaphore(%run_scoped3A_236 : memref<!tpu.dma_semaphore, #tpu.memory_space<semaphore_mem>>) src(%dma_wait3A_264 : memref<64x16xi32, #tpu.memory_space<hbm>>) dst(%dma_wait3A_261 : memref<64x16xi32, #tpu.memory_space<vmem>>)
        tpu.yield
      }) : () -> ()
      %run_scoped3A_130 = arith.constant 0 : i32
      "tpu.region"() ({
        %run_scoped3A_236 = tpu.sem_alloc : memref<!tpu.dma_semaphore, #tpu.memory_space<semaphore_mem>>
        %dma_start3A_237 = arith.constant 0 : i32
        %dma_start3A_238 = arith.constant 0 : i32
        %dma_start3A_239 = tpu.memref_slice %arg9[%run_scoped3A_130, %dma_start3A_237, %dma_start3A_238] : memref<2x64x16xf32, #tpu.memory_space<vmem>> -> memref<1x64x16xf32, #tpu.memory_space<vmem>>
        %dma_start3A_240 = tpu.memref_squeeze %dma_start3A_239 : memref<1x64x16xf32, #tpu.memory_space<vmem>> -> memref<64x16xf32, #tpu.memory_space<vmem>>
        %dma_start3A_241 = arith.constant 0 : i32
        %dma_start3A_242 = tpu.memref_slice %arg3[%select_n3A_107, %dma_start3A_241, %mul3A_125] : memref<12x64x2048xf32, #tpu.memory_space<hbm>> -> memref<1x64x16xf32, #tpu.memory_space<hbm>>
        %dma_start3A_243 = tpu.memref_squeeze %dma_start3A_242 : memref<1x64x16xf32, #tpu.memory_space<hbm>> -> memref<64x16xf32, #tpu.memory_space<hbm>>
        %dma_start3A_244 = arith.constant 0 : i32
        %dma_start3A_245 = arith.constant 0 : i32
        %dma_start3A_246 = tpu.memref_slice %arg9[%run_scoped3A_130, %dma_start3A_244, %dma_start3A_245] : memref<2x64x16xf32, #tpu.memory_space<vmem>> -> memref<1x64x16xf32, #tpu.memory_space<vmem>>
        %dma_start3A_247 = tpu.memref_squeeze %dma_start3A_246 : memref<1x64x16xf32, #tpu.memory_space<vmem>> -> memref<64x16xf32, #tpu.memory_space<vmem>>
        %dma_start3A_248 = arith.constant 0 : i32
        %dma_start3A_249 = tpu.memref_slice %arg3[%select_n3A_107, %dma_start3A_248, %mul3A_125] : memref<12x64x2048xf32, #tpu.memory_space<hbm>> -> memref<1x64x16xf32, #tpu.memory_space<hbm>>
        %dma_start3A_250 = tpu.memref_squeeze %dma_start3A_249 : memref<1x64x16xf32, #tpu.memory_space<hbm>> -> memref<64x16xf32, #tpu.memory_space<hbm>>
        tpu.enqueue_dma source(%dma_start3A_250 : memref<64x16xf32, #tpu.memory_space<hbm>>) target(%dma_start3A_247 : memref<64x16xf32, #tpu.memory_space<vmem>>) target_semaphore(%run_scoped3A_236 : memref<!tpu.dma_semaphore, #tpu.memory_space<semaphore_mem>>)
        %dma_wait3A_251 = arith.constant 0 : i32
        %dma_wait3A_252 = arith.constant 0 : i32
        %dma_wait3A_253 = tpu.memref_slice %arg9[%run_scoped3A_130, %dma_wait3A_251, %dma_wait3A_252] : memref<2x64x16xf32, #tpu.memory_space<vmem>> -> memref<1x64x16xf32, #tpu.memory_space<vmem>>
        %dma_wait3A_254 = tpu.memref_squeeze %dma_wait3A_253 : memref<1x64x16xf32, #tpu.memory_space<vmem>> -> memref<64x16xf32, #tpu.memory_space<vmem>>
        %dma_wait3A_255 = arith.constant 0 : i32
        %dma_wait3A_256 = tpu.memref_slice %arg3[%select_n3A_107, %dma_wait3A_255, %mul3A_125] : memref<12x64x2048xf32, #tpu.memory_space<hbm>> -> memref<1x64x16xf32, #tpu.memory_space<hbm>>
        %dma_wait3A_257 = tpu.memref_squeeze %dma_wait3A_256 : memref<1x64x16xf32, #tpu.memory_space<hbm>> -> memref<64x16xf32, #tpu.memory_space<hbm>>
        %dma_wait3A_258 = arith.constant 0 : i32
        %dma_wait3A_259 = arith.constant 0 : i32
        %dma_wait3A_260 = tpu.memref_slice %arg9[%run_scoped3A_130, %dma_wait3A_258, %dma_wait3A_259] : memref<2x64x16xf32, #tpu.memory_space<vmem>> -> memref<1x64x16xf32, #tpu.memory_space<vmem>>
        %dma_wait3A_261 = tpu.memref_squeeze %dma_wait3A_260 : memref<1x64x16xf32, #tpu.memory_space<vmem>> -> memref<64x16xf32, #tpu.memory_space<vmem>>
        %dma_wait3A_262 = arith.constant 0 : i32
        %dma_wait3A_263 = tpu.memref_slice %arg3[%select_n3A_107, %dma_wait3A_262, %mul3A_125] : memref<12x64x2048xf32, #tpu.memory_space<hbm>> -> memref<1x64x16xf32, #tpu.memory_space<hbm>>
        %dma_wait3A_264 = tpu.memref_squeeze %dma_wait3A_263 : memref<1x64x16xf32, #tpu.memory_space<hbm>> -> memref<64x16xf32, #tpu.memory_space<hbm>>
        tpu.wait_dma2 semaphore(%run_scoped3A_236 : memref<!tpu.dma_semaphore, #tpu.memory_space<semaphore_mem>>) src(%dma_wait3A_264 : memref<64x16xf32, #tpu.memory_space<hbm>>) dst(%dma_wait3A_261 : memref<64x16xf32, #tpu.memory_space<vmem>>)
        tpu.yield
      }) : () -> ()
      %scan3A_131 = arith.constant 0 : i32
      %scan3A_132 = arith.constant 0 : i32
      %scan3A_133 = arith.constant 0 : i32
      %scan3A_134 = arith.constant 0 : i32
      %scan3A_135 = arith.constant 0 : i32
      %scan3A_136 = arith.constant 64 : i32
      %scan3A_137 = arith.addi %scan3A_135, %scan3A_136 : i32
      %scan3A_138 = arith.constant 1 : i32
      scf.for %scan3A_236 = %scan3A_135 to %scan3A_137 step %scan3A_138  : i32 {
        %get3A = arith.constant 0 : i32
        %get3A_237 = arith.constant 0 : i32
        %get3A_238 = tpu.memref_slice %arg8[%scan3A_132, %get3A, %get3A_237] : memref<2x64x16xi32, #tpu.memory_space<vmem>> -> memref<1x64x16xi32, #tpu.memory_space<vmem>>
        %get3A_239 = tpu.memref_squeeze %get3A_238 : memref<1x64x16xi32, #tpu.memory_space<vmem>> -> memref<64x16xi32, #tpu.memory_space<vmem>>
        %get3A_240 = arith.index_cast %scan3A_236 : i32 to index
        %get3A_241 = arith.constant 0 : index
        %get3A_242 = tpu.vector_load %get3A_239[%get3A_240, %get3A_241] {strides = array<i32>} : memref<64x16xi32, #tpu.memory_space<vmem>>, vector<16xi32>,
        %get3A_243 = arith.constant 0 : i32
        %get3A_244 = arith.constant 0 : i32
        %get3A_245 = tpu.memref_slice %arg9[%scan3A_133, %get3A_243, %get3A_244] : memref<2x64x16xf32, #tpu.memory_space<vmem>> -> memref<1x64x16xf32, #tpu.memory_space<vmem>>
        %get3A_246 = tpu.memref_squeeze %get3A_245 : memref<1x64x16xf32, #tpu.memory_space<vmem>> -> memref<64x16xf32, #tpu.memory_space<vmem>>
        %get3A_247 = arith.index_cast %scan3A_236 : i32 to index
        %get3A_248 = arith.constant 0 : index
        %get3A_249 = tpu.vector_load %get3A_246[%get3A_247, %get3A_248] {strides = array<i32>} : memref<64x16xf32, #tpu.memory_space<vmem>>, vector<16xf32>,
        %shift_right_arithmetic3A = arith.constant 2 : i32
        %shift_right_arithmetic3A_250 = vector.broadcast %shift_right_arithmetic3A : i32 to vector<16xi32>
        %shift_right_arithmetic3A_251 = arith.shrsi %get3A_242, %shift_right_arithmetic3A_250 : vector<16xi32>
        %gather3A = tpu.vector_load_idx %arg7[%iota3A, %shift_right_arithmetic3A_251] : memref<16x512xi32, #tpu.memory_space<vmem>>[vector<16xi32>, vector<16xi32>], vector<16xi32>,
        %and3A_252 = arith.constant 3 : i32
        %and3A_253 = vector.broadcast %and3A_252 : i32 to vector<16xi32>
        %and3A_254 = arith.andi %get3A_242, %and3A_253 : vector<16xi32>
        %mul3A_255 = arith.constant 8 : i32
        %mul3A_256 = vector.broadcast %mul3A_255 : i32 to vector<16xi32>
        %mul3A_257 = arith.muli %and3A_254, %mul3A_256 : vector<16xi32>
        %shift_right_arithmetic3A_258 = arith.shrsi %gather3A, %mul3A_257 : vector<16xi32>
        %and3A_259 = arith.constant 1 : i32
        %and3A_260 = vector.broadcast %and3A_259 : i32 to vector<16xi32>
        %and3A_261 = arith.andi %shift_right_arithmetic3A_258, %and3A_260 : vector<16xi32>
        %eq3A_262 = arith.constant 0 : i32
        %eq3A_263 = vector.broadcast %eq3A_262 : i32 to vector<16xi32>
        %eq3A_264 = arith.cmpi eq, %and3A_261, %eq3A_263 : vector<16xi32>
        %scatter3A = arith.constant 0 : i32
        %scatter3A_265 = arith.constant 0 : i32
        %scatter3A_266 = tpu.memref_slice %arg6[%scan3A_134, %scatter3A, %scatter3A_265] : memref<2x16x2048xf32, #tpu.memory_space<vmem>> -> memref<1x16x2048xf32, #tpu.memory_space<vmem>>
        %scatter3A_267 = tpu.memref_squeeze %scatter3A_266 : memref<1x16x2048xf32, #tpu.memory_space<vmem>> -> memref<16x2048xf32, #tpu.memory_space<vmem>>
        tpu.vector_store_idx %scatter3A_267[%iota3A, %get3A_242], %get3A_249 masked %eq3A_264 {add = true} : memref<16x2048xf32, #tpu.memory_space<vmem>>[vector<16xi32>, vector<16xi32>], vector<16xf32>, vector<16xi1>
      }
      %scan3A_139 = arith.constant 64 : i32
      %dma_start3A = arith.constant 0 : i32
      %dma_start3A_140 = arith.constant 0 : i32
      %dma_start3A_141 = arith.constant 0 : i32
      %dma_start3A_142 = tpu.memref_slice %arg6[%dma_start3A, %dma_start3A_140, %dma_start3A_141] : memref<2x16x2048xf32, #tpu.memory_space<vmem>> -> memref<1x16x2048xf32, #tpu.memory_space<vmem>>
      %dma_start3A_143 = tpu.memref_squeeze %dma_start3A_142 : memref<1x16x2048xf32, #tpu.memory_space<vmem>> -> memref<16x2048xf32, #tpu.memory_space<vmem>>
      %dma_start3A_144 = arith.constant 0 : i32
      %dma_start3A_145 = tpu.memref_slice %arg5[%select_n3A_107, %mul3A_125, %dma_start3A_144] : memref<12x2048x2048xf32, #tpu.memory_space<hbm>> -> memref<1x16x2048xf32, #tpu.memory_space<hbm>>
      %dma_start3A_146 = tpu.memref_squeeze %dma_start3A_145 : memref<1x16x2048xf32, #tpu.memory_space<hbm>> -> memref<16x2048xf32, #tpu.memory_space<hbm>>
      %dma_start3A_147 = arith.constant 0 : i32
      %dma_start3A_148 = tpu.memref_slice %arg5[%select_n3A_107, %mul3A_125, %dma_start3A_147] : memref<12x2048x2048xf32, #tpu.memory_space<hbm>> -> memref<1x16x2048xf32, #tpu.memory_space<hbm>>
      %dma_start3A_149 = tpu.memref_squeeze %dma_start3A_148 : memref<1x16x2048xf32, #tpu.memory_space<hbm>> -> memref<16x2048xf32, #tpu.memory_space<hbm>>
      %dma_start3A_150 = arith.constant 0 : i32
      %dma_start3A_151 = arith.constant 0 : i32
      %dma_start3A_152 = tpu.memref_slice %arg6[%dma_start3A, %dma_start3A_150, %dma_start3A_151] : memref<2x16x2048xf32, #tpu.memory_space<vmem>> -> memref<1x16x2048xf32, #tpu.memory_space<vmem>>
      %dma_start3A_153 = tpu.memref_squeeze %dma_start3A_152 : memref<1x16x2048xf32, #tpu.memory_space<vmem>> -> memref<16x2048xf32, #tpu.memory_space<vmem>>
      tpu.enqueue_dma source(%dma_start3A_153 : memref<16x2048xf32, #tpu.memory_space<vmem>>) target(%dma_start3A_149 : memref<16x2048xf32, #tpu.memory_space<hbm>>) target_semaphore(%arg10 : memref<!tpu.dma_semaphore, #tpu.memory_space<semaphore_mem>>)
      %mul3A_154 = arith.constant 2 : i32
      %mul3A_155 = arith.muli %scan3A_76, %mul3A_154 : i32
      %add3A_156 = arith.constant 1 : i32
      %add3A_157 = arith.addi %mul3A_155, %add3A_156 : i32
      %mul3A_158 = arith.constant 48 : i32
      %mul3A_159 = arith.muli %add3A, %mul3A_158 : i32
      %add3A_160 = arith.addi %mul3A_159, %add3A_157 : i32
      %jit3A_161 = arith.constant 128 : i32
      %div3A_162 = arith.divsi %add3A_160, %jit3A_161 : i32
      %sign3A_163 = arith.constant 0 : i32
      %sign3A_164 = arith.cmpi sgt, %add3A_160, %sign3A_163 : i32
      %sign3A_165 = arith.extui %sign3A_164 : i1 to i32
      %sign3A_166 = arith.constant 0 : i32
      %sign3A_167 = arith.cmpi slt, %add3A_160, %sign3A_166 : i32
      %sign3A_168 = arith.extui %sign3A_167 : i1 to i32
      %sign3A_169 = arith.subi %sign3A_165, %sign3A_168 : i32
      %sign3A_170 = arith.constant 0 : i32
      %sign3A_171 = arith.cmpi sgt, %jit3A_161, %sign3A_170 : i32
      %sign3A_172 = arith.extui %sign3A_171 : i1 to i32
      %sign3A_173 = arith.constant 0 : i32
      %sign3A_174 = arith.cmpi slt, %jit3A_161, %sign3A_173 : i32
      %sign3A_175 = arith.extui %sign3A_174 : i1 to i32
      %sign3A_176 = arith.subi %sign3A_172, %sign3A_175 : i32
      %ne3A_177 = arith.cmpi ne, %sign3A_169, %sign3A_176 : i32
      %rem3A_178 = arith.remsi %add3A_160, %jit3A_161 : i32
      %ne3A_179 = arith.constant 0 : i32
      %ne3A_180 = arith.cmpi ne, %rem3A_178, %ne3A_179 : i32
      %and3A_181 = arith.andi %ne3A_177, %ne3A_180 : i1
      %sub3A_182 = arith.constant 1 : i32
      %sub3A_183 = arith.subi %div3A_162, %sub3A_182 : i32
      %select_n3A_184 = arith.select %and3A_181, %sub3A_183, %div3A_162 : i32
      %jit3A_185 = arith.constant 128 : i32
      %eq3A_186 = arith.constant 0 : i32
      %eq3A_187 = arith.cmpi eq, %jit3A_185, %eq3A_186 : i32
      %jit3A_188 = arith.constant 1 : i32
      %select_n3A_189 = arith.select %eq3A_187, %jit3A_188, %jit3A_185 : i32
      %rem3A_190 = arith.remsi %add3A_160, %select_n3A_189 : i32
      %ne3A_191 = arith.constant 0 : i32
      %ne3A_192 = arith.cmpi ne, %rem3A_190, %ne3A_191 : i32
      %lt3A_193 = arith.constant 0 : i32
      %lt3A_194 = arith.cmpi slt, %rem3A_190, %lt3A_193 : i32
      %lt3A_195 = arith.constant 0 : i32
      %lt3A_196 = arith.cmpi slt, %select_n3A_189, %lt3A_195 : i32
      %ne3A_197 = arith.xori %lt3A_194, %lt3A_196 : i1
      %and3A_198 = arith.andi %ne3A_197, %ne3A_192 : i1
      %add3A_199 = arith.addi %rem3A_190, %select_n3A_189 : i32
      %select_n3A_200 = arith.select %and3A_198, %add3A_199, %rem3A_190 : i32
      %mul3A_201 = arith.constant 16 : i32
      %mul3A_202 = arith.muli %select_n3A_200, %mul3A_201 : i32
      %ge3A_203 = arith.constant 1 : i32
      %ge3A_204 = arith.cmpi sge, %scan3A_76, %ge3A_203 : i32
      %convert_element_type3A_205 = arith.extui %ge3A_204 : i1 to i32
      %cond3A_206 = arith.constant 1 : i32
      %cond3A_207 = arith.constant 1 : i32
      %cond3A_208 = arith.constant 0 : i32
      %cond3A_209 = arith.cmpi ne, %convert_element_type3A_205, %cond3A_208 : i32
      scf.if %cond3A_209 {
        %dma_wait3A_236 = arith.constant 0 : i32
        %dma_wait3A_237 = arith.constant 0 : i32
        %dma_wait3A_238 = tpu.memref_slice %arg6[%cond3A_206, %dma_wait3A_236, %dma_wait3A_237] : memref<2x16x2048xf32, #tpu.memory_space<vmem>> -> memref<1x16x2048xf32, #tpu.memory_space<vmem>>
        %dma_wait3A_239 = tpu.memref_squeeze %dma_wait3A_238 : memref<1x16x2048xf32, #tpu.memory_space<vmem>> -> memref<16x2048xf32, #tpu.memory_space<vmem>>
        %dma_wait3A_240 = arith.constant 0 : i32
        %dma_wait3A_241 = tpu.memref_slice %arg5[%select_n3A_184, %mul3A_202, %dma_wait3A_240] : memref<12x2048x2048xf32, #tpu.memory_space<hbm>> -> memref<1x16x2048xf32, #tpu.memory_space<hbm>>
        %dma_wait3A_242 = tpu.memref_squeeze %dma_wait3A_241 : memref<1x16x2048xf32, #tpu.memory_space<hbm>> -> memref<16x2048xf32, #tpu.memory_space<hbm>>
        %dma_wait3A_243 = arith.constant 0 : i32
        %dma_wait3A_244 = tpu.memref_slice %arg5[%select_n3A_184, %mul3A_202, %dma_wait3A_243] : memref<12x2048x2048xf32, #tpu.memory_space<hbm>> -> memref<1x16x2048xf32, #tpu.memory_space<hbm>>
        %dma_wait3A_245 = tpu.memref_squeeze %dma_wait3A_244 : memref<1x16x2048xf32, #tpu.memory_space<hbm>> -> memref<16x2048xf32, #tpu.memory_space<hbm>>
        %dma_wait3A_246 = arith.constant 0 : i32
        %dma_wait3A_247 = arith.constant 0 : i32
        %dma_wait3A_248 = tpu.memref_slice %arg6[%cond3A_206, %dma_wait3A_246, %dma_wait3A_247] : memref<2x16x2048xf32, #tpu.memory_space<vmem>> -> memref<1x16x2048xf32, #tpu.memory_space<vmem>>
        %dma_wait3A_249 = tpu.memref_squeeze %dma_wait3A_248 : memref<1x16x2048xf32, #tpu.memory_space<vmem>> -> memref<16x2048xf32, #tpu.memory_space<vmem>>
        tpu.wait_dma2 semaphore(%arg11 : memref<!tpu.dma_semaphore, #tpu.memory_space<semaphore_mem>>) src(%dma_wait3A_249 : memref<16x2048xf32, #tpu.memory_space<vmem>>) dst(%dma_wait3A_245 : memref<16x2048xf32, #tpu.memory_space<hbm>>)
        %scan3A_250 = arith.constant 0 : i32
        %scan3A_251 = arith.constant 0 : i32
        %scan3A_252 = arith.constant 64 : i32
        %scan3A_253 = arith.addi %scan3A_251, %scan3A_252 : i32
        %scan3A_254 = arith.constant 1 : i32
        scf.for %scan3A_256 = %scan3A_251 to %scan3A_253 step %scan3A_254  : i32 {
          %get3A = arith.constant 0 : i32
          %get3A_257 = arith.constant 0 : i32
          %get3A_258 = tpu.memref_slice %arg8[%cond3A_207, %get3A, %get3A_257] : memref<2x64x16xi32, #tpu.memory_space<vmem>> -> memref<1x64x16xi32, #tpu.memory_space<vmem>>
          %get3A_259 = tpu.memref_squeeze %get3A_258 : memref<1x64x16xi32, #tpu.memory_space<vmem>> -> memref<64x16xi32, #tpu.memory_space<vmem>>
          %get3A_260 = arith.index_cast %scan3A_256 : i32 to index
          %get3A_261 = arith.constant 0 : index
          %get3A_262 = tpu.vector_load %get3A_259[%get3A_260, %get3A_261] {strides = array<i32>} : memref<64x16xi32, #tpu.memory_space<vmem>>, vector<16xi32>,
          %scatter3A = arith.constant 0 : i32
          %scatter3A_263 = arith.constant 0 : i32
          %scatter3A_264 = tpu.memref_slice %arg6[%cond3A_206, %scatter3A, %scatter3A_263] : memref<2x16x2048xf32, #tpu.memory_space<vmem>> -> memref<1x16x2048xf32, #tpu.memory_space<vmem>>
          %scatter3A_265 = tpu.memref_squeeze %scatter3A_264 : memref<1x16x2048xf32, #tpu.memory_space<vmem>> -> memref<16x2048xf32, #tpu.memory_space<vmem>>
          tpu.vector_store_idx %scatter3A_265[%iota3A, %get3A_262], %broadcast_in_dim3A_1 : memref<16x2048xf32, #tpu.memory_space<vmem>>[vector<16xi32>, vector<16xi32>], vector<16xf32>,
        }
        %scan3A_255 = arith.constant 64 : i32
      } else {
      }
      "tpu.region"() ({
        %run_scoped3A_236 = tpu.sem_alloc : memref<!tpu.dma_semaphore, #tpu.memory_space<semaphore_mem>>
        %dma_start3A_237 = arith.constant 0 : i32
        %dma_start3A_238 = tpu.memref_slice %arg4[%select_n3A_184, %mul3A_202, %dma_start3A_237] : memref<12x2048x512xi32, #tpu.memory_space<hbm>> -> memref<1x16x512xi32, #tpu.memory_space<hbm>>
        %dma_start3A_239 = tpu.memref_squeeze %dma_start3A_238 : memref<1x16x512xi32, #tpu.memory_space<hbm>> -> memref<16x512xi32, #tpu.memory_space<hbm>>
        %dma_start3A_240 = arith.constant 0 : i32
        %dma_start3A_241 = tpu.memref_slice %arg4[%select_n3A_184, %mul3A_202, %dma_start3A_240] : memref<12x2048x512xi32, #tpu.memory_space<hbm>> -> memref<1x16x512xi32, #tpu.memory_space<hbm>>
        %dma_start3A_242 = tpu.memref_squeeze %dma_start3A_241 : memref<1x16x512xi32, #tpu.memory_space<hbm>> -> memref<16x512xi32, #tpu.memory_space<hbm>>
        tpu.enqueue_dma source(%dma_start3A_242 : memref<16x512xi32, #tpu.memory_space<hbm>>) target(%arg7 : memref<16x512xi32, #tpu.memory_space<vmem>>) target_semaphore(%run_scoped3A_236 : memref<!tpu.dma_semaphore, #tpu.memory_space<semaphore_mem>>)
        %dma_wait3A_243 = arith.constant 0 : i32
        %dma_wait3A_244 = tpu.memref_slice %arg4[%select_n3A_184, %mul3A_202, %dma_wait3A_243] : memref<12x2048x512xi32, #tpu.memory_space<hbm>> -> memref<1x16x512xi32, #tpu.memory_space<hbm>>
        %dma_wait3A_245 = tpu.memref_squeeze %dma_wait3A_244 : memref<1x16x512xi32, #tpu.memory_space<hbm>> -> memref<16x512xi32, #tpu.memory_space<hbm>>
        %dma_wait3A_246 = arith.constant 0 : i32
        %dma_wait3A_247 = tpu.memref_slice %arg4[%select_n3A_184, %mul3A_202, %dma_wait3A_246] : memref<12x2048x512xi32, #tpu.memory_space<hbm>> -> memref<1x16x512xi32, #tpu.memory_space<hbm>>
        %dma_wait3A_248 = tpu.memref_squeeze %dma_wait3A_247 : memref<1x16x512xi32, #tpu.memory_space<hbm>> -> memref<16x512xi32, #tpu.memory_space<hbm>>
        tpu.wait_dma2 semaphore(%run_scoped3A_236 : memref<!tpu.dma_semaphore, #tpu.memory_space<semaphore_mem>>) src(%dma_wait3A_248 : memref<16x512xi32, #tpu.memory_space<hbm>>) dst(%arg7 : memref<16x512xi32, #tpu.memory_space<vmem>>)
        tpu.yield
      }) : () -> ()
      %run_scoped3A_210 = arith.constant 1 : i32
      "tpu.region"() ({
        %run_scoped3A_236 = tpu.sem_alloc : memref<!tpu.dma_semaphore, #tpu.memory_space<semaphore_mem>>
        %dma_start3A_237 = arith.constant 0 : i32
        %dma_start3A_238 = arith.constant 0 : i32
        %dma_start3A_239 = tpu.memref_slice %arg8[%run_scoped3A_210, %dma_start3A_237, %dma_start3A_238] : memref<2x64x16xi32, #tpu.memory_space<vmem>> -> memref<1x64x16xi32, #tpu.memory_space<vmem>>
        %dma_start3A_240 = tpu.memref_squeeze %dma_start3A_239 : memref<1x64x16xi32, #tpu.memory_space<vmem>> -> memref<64x16xi32, #tpu.memory_space<vmem>>
        %dma_start3A_241 = arith.constant 0 : i32
        %dma_start3A_242 = tpu.memref_slice %arg2[%select_n3A_184, %dma_start3A_241, %mul3A_202] : memref<12x64x2048xi32, #tpu.memory_space<hbm>> -> memref<1x64x16xi32, #tpu.memory_space<hbm>>
        %dma_start3A_243 = tpu.memref_squeeze %dma_start3A_242 : memref<1x64x16xi32, #tpu.memory_space<hbm>> -> memref<64x16xi32, #tpu.memory_space<hbm>>
        %dma_start3A_244 = arith.constant 0 : i32
        %dma_start3A_245 = arith.constant 0 : i32
        %dma_start3A_246 = tpu.memref_slice %arg8[%run_scoped3A_210, %dma_start3A_244, %dma_start3A_245] : memref<2x64x16xi32, #tpu.memory_space<vmem>> -> memref<1x64x16xi32, #tpu.memory_space<vmem>>
        %dma_start3A_247 = tpu.memref_squeeze %dma_start3A_246 : memref<1x64x16xi32, #tpu.memory_space<vmem>> -> memref<64x16xi32, #tpu.memory_space<vmem>>
        %dma_start3A_248 = arith.constant 0 : i32
        %dma_start3A_249 = tpu.memref_slice %arg2[%select_n3A_184, %dma_start3A_248, %mul3A_202] : memref<12x64x2048xi32, #tpu.memory_space<hbm>> -> memref<1x64x16xi32, #tpu.memory_space<hbm>>
        %dma_start3A_250 = tpu.memref_squeeze %dma_start3A_249 : memref<1x64x16xi32, #tpu.memory_space<hbm>> -> memref<64x16xi32, #tpu.memory_space<hbm>>
        tpu.enqueue_dma source(%dma_start3A_250 : memref<64x16xi32, #tpu.memory_space<hbm>>) target(%dma_start3A_247 : memref<64x16xi32, #tpu.memory_space<vmem>>) target_semaphore(%run_scoped3A_236 : memref<!tpu.dma_semaphore, #tpu.memory_space<semaphore_mem>>)
        %dma_wait3A_251 = arith.constant 0 : i32
        %dma_wait3A_252 = arith.constant 0 : i32
        %dma_wait3A_253 = tpu.memref_slice %arg8[%run_scoped3A_210, %dma_wait3A_251, %dma_wait3A_252] : memref<2x64x16xi32, #tpu.memory_space<vmem>> -> memref<1x64x16xi32, #tpu.memory_space<vmem>>
        %dma_wait3A_254 = tpu.memref_squeeze %dma_wait3A_253 : memref<1x64x16xi32, #tpu.memory_space<vmem>> -> memref<64x16xi32, #tpu.memory_space<vmem>>
        %dma_wait3A_255 = arith.constant 0 : i32
        %dma_wait3A_256 = tpu.memref_slice %arg2[%select_n3A_184, %dma_wait3A_255, %mul3A_202] : memref<12x64x2048xi32, #tpu.memory_space<hbm>> -> memref<1x64x16xi32, #tpu.memory_space<hbm>>
        %dma_wait3A_257 = tpu.memref_squeeze %dma_wait3A_256 : memref<1x64x16xi32, #tpu.memory_space<hbm>> -> memref<64x16xi32, #tpu.memory_space<hbm>>
        %dma_wait3A_258 = arith.constant 0 : i32
        %dma_wait3A_259 = arith.constant 0 : i32
        %dma_wait3A_260 = tpu.memref_slice %arg8[%run_scoped3A_210, %dma_wait3A_258, %dma_wait3A_259] : memref<2x64x16xi32, #tpu.memory_space<vmem>> -> memref<1x64x16xi32, #tpu.memory_space<vmem>>
        %dma_wait3A_261 = tpu.memref_squeeze %dma_wait3A_260 : memref<1x64x16xi32, #tpu.memory_space<vmem>> -> memref<64x16xi32, #tpu.memory_space<vmem>>
        %dma_wait3A_262 = arith.constant 0 : i32
        %dma_wait3A_263 = tpu.memref_slice %arg2[%select_n3A_184, %dma_wait3A_262, %mul3A_202] : memref<12x64x2048xi32, #tpu.memory_space<hbm>> -> memref<1x64x16xi32, #tpu.memory_space<hbm>>
        %dma_wait3A_264 = tpu.memref_squeeze %dma_wait3A_263 : memref<1x64x16xi32, #tpu.memory_space<hbm>> -> memref<64x16xi32, #tpu.memory_space<hbm>>
        tpu.wait_dma2 semaphore(%run_scoped3A_236 : memref<!tpu.dma_semaphore, #tpu.memory_space<semaphore_mem>>) src(%dma_wait3A_264 : memref<64x16xi32, #tpu.memory_space<hbm>>) dst(%dma_wait3A_261 : memref<64x16xi32, #tpu.memory_space<vmem>>)
        tpu.yield
      }) : () -> ()
      %run_scoped3A_211 = arith.constant 1 : i32
      "tpu.region"() ({
        %run_scoped3A_236 = tpu.sem_alloc : memref<!tpu.dma_semaphore, #tpu.memory_space<semaphore_mem>>
        %dma_start3A_237 = arith.constant 0 : i32
        %dma_start3A_238 = arith.constant 0 : i32
        %dma_start3A_239 = tpu.memref_slice %arg9[%run_scoped3A_211, %dma_start3A_237, %dma_start3A_238] : memref<2x64x16xf32, #tpu.memory_space<vmem>> -> memref<1x64x16xf32, #tpu.memory_space<vmem>>
        %dma_start3A_240 = tpu.memref_squeeze %dma_start3A_239 : memref<1x64x16xf32, #tpu.memory_space<vmem>> -> memref<64x16xf32, #tpu.memory_space<vmem>>
        %dma_start3A_241 = arith.constant 0 : i32
        %dma_start3A_242 = tpu.memref_slice %arg3[%select_n3A_184, %dma_start3A_241, %mul3A_202] : memref<12x64x2048xf32, #tpu.memory_space<hbm>> -> memref<1x64x16xf32, #tpu.memory_space<hbm>>
        %dma_start3A_243 = tpu.memref_squeeze %dma_start3A_242 : memref<1x64x16xf32, #tpu.memory_space<hbm>> -> memref<64x16xf32, #tpu.memory_space<hbm>>
        %dma_start3A_244 = arith.constant 0 : i32
        %dma_start3A_245 = arith.constant 0 : i32
        %dma_start3A_246 = tpu.memref_slice %arg9[%run_scoped3A_211, %dma_start3A_244, %dma_start3A_245] : memref<2x64x16xf32, #tpu.memory_space<vmem>> -> memref<1x64x16xf32, #tpu.memory_space<vmem>>
        %dma_start3A_247 = tpu.memref_squeeze %dma_start3A_246 : memref<1x64x16xf32, #tpu.memory_space<vmem>> -> memref<64x16xf32, #tpu.memory_space<vmem>>
        %dma_start3A_248 = arith.constant 0 : i32
        %dma_start3A_249 = tpu.memref_slice %arg3[%select_n3A_184, %dma_start3A_248, %mul3A_202] : memref<12x64x2048xf32, #tpu.memory_space<hbm>> -> memref<1x64x16xf32, #tpu.memory_space<hbm>>
        %dma_start3A_250 = tpu.memref_squeeze %dma_start3A_249 : memref<1x64x16xf32, #tpu.memory_space<hbm>> -> memref<64x16xf32, #tpu.memory_space<hbm>>
        tpu.enqueue_dma source(%dma_start3A_250 : memref<64x16xf32, #tpu.memory_space<hbm>>) target(%dma_start3A_247 : memref<64x16xf32, #tpu.memory_space<vmem>>) target_semaphore(%run_scoped3A_236 : memref<!tpu.dma_semaphore, #tpu.memory_space<semaphore_mem>>)
        %dma_wait3A_251 = arith.constant 0 : i32
        %dma_wait3A_252 = arith.constant 0 : i32
        %dma_wait3A_253 = tpu.memref_slice %arg9[%run_scoped3A_211, %dma_wait3A_251, %dma_wait3A_252] : memref<2x64x16xf32, #tpu.memory_space<vmem>> -> memref<1x64x16xf32, #tpu.memory_space<vmem>>
        %dma_wait3A_254 = tpu.memref_squeeze %dma_wait3A_253 : memref<1x64x16xf32, #tpu.memory_space<vmem>> -> memref<64x16xf32, #tpu.memory_space<vmem>>
        %dma_wait3A_255 = arith.constant 0 : i32
        %dma_wait3A_256 = tpu.memref_slice %arg3[%select_n3A_184, %dma_wait3A_255, %mul3A_202] : memref<12x64x2048xf32, #tpu.memory_space<hbm>> -> memref<1x64x16xf32, #tpu.memory_space<hbm>>
        %dma_wait3A_257 = tpu.memref_squeeze %dma_wait3A_256 : memref<1x64x16xf32, #tpu.memory_space<hbm>> -> memref<64x16xf32, #tpu.memory_space<hbm>>
        %dma_wait3A_258 = arith.constant 0 : i32
        %dma_wait3A_259 = arith.constant 0 : i32
        %dma_wait3A_260 = tpu.memref_slice %arg9[%run_scoped3A_211, %dma_wait3A_258, %dma_wait3A_259] : memref<2x64x16xf32, #tpu.memory_space<vmem>> -> memref<1x64x16xf32, #tpu.memory_space<vmem>>
        %dma_wait3A_261 = tpu.memref_squeeze %dma_wait3A_260 : memref<1x64x16xf32, #tpu.memory_space<vmem>> -> memref<64x16xf32, #tpu.memory_space<vmem>>
        %dma_wait3A_262 = arith.constant 0 : i32
        %dma_wait3A_263 = tpu.memref_slice %arg3[%select_n3A_184, %dma_wait3A_262, %mul3A_202] : memref<12x64x2048xf32, #tpu.memory_space<hbm>> -> memref<1x64x16xf32, #tpu.memory_space<hbm>>
        %dma_wait3A_264 = tpu.memref_squeeze %dma_wait3A_263 : memref<1x64x16xf32, #tpu.memory_space<hbm>> -> memref<64x16xf32, #tpu.memory_space<hbm>>
        tpu.wait_dma2 semaphore(%run_scoped3A_236 : memref<!tpu.dma_semaphore, #tpu.memory_space<semaphore_mem>>) src(%dma_wait3A_264 : memref<64x16xf32, #tpu.memory_space<hbm>>) dst(%dma_wait3A_261 : memref<64x16xf32, #tpu.memory_space<vmem>>)
        tpu.yield
      }) : () -> ()
      %scan3A_212 = arith.constant 0 : i32
      %scan3A_213 = arith.constant 1 : i32
      %scan3A_214 = arith.constant 1 : i32
      %scan3A_215 = arith.constant 1 : i32
      %scan3A_216 = arith.constant 0 : i32
      %scan3A_217 = arith.constant 64 : i32
      %scan3A_218 = arith.addi %scan3A_216, %scan3A_217 : i32
      %scan3A_219 = arith.constant 1 : i32
      scf.for %scan3A_236 = %scan3A_216 to %scan3A_218 step %scan3A_219  : i32 {
        %get3A = arith.constant 0 : i32
        %get3A_237 = arith.constant 0 : i32
        %get3A_238 = tpu.memref_slice %arg8[%scan3A_213, %get3A, %get3A_237] : memref<2x64x16xi32, #tpu.memory_space<vmem>> -> memref<1x64x16xi32, #tpu.memory_space<vmem>>
        %get3A_239 = tpu.memref_squeeze %get3A_238 : memref<1x64x16xi32, #tpu.memory_space<vmem>> -> memref<64x16xi32, #tpu.memory_space<vmem>>
        %get3A_240 = arith.index_cast %scan3A_236 : i32 to index
        %get3A_241 = arith.constant 0 : index
        %get3A_242 = tpu.vector_load %get3A_239[%get3A_240, %get3A_241] {strides = array<i32>} : memref<64x16xi32, #tpu.memory_space<vmem>>, vector<16xi32>,
        %get3A_243 = arith.constant 0 : i32
        %get3A_244 = arith.constant 0 : i32
        %get3A_245 = tpu.memref_slice %arg9[%scan3A_214, %get3A_243, %get3A_244] : memref<2x64x16xf32, #tpu.memory_space<vmem>> -> memref<1x64x16xf32, #tpu.memory_space<vmem>>
        %get3A_246 = tpu.memref_squeeze %get3A_245 : memref<1x64x16xf32, #tpu.memory_space<vmem>> -> memref<64x16xf32, #tpu.memory_space<vmem>>
        %get3A_247 = arith.index_cast %scan3A_236 : i32 to index
        %get3A_248 = arith.constant 0 : index
        %get3A_249 = tpu.vector_load %get3A_246[%get3A_247, %get3A_248] {strides = array<i32>} : memref<64x16xf32, #tpu.memory_space<vmem>>, vector<16xf32>,
        %shift_right_arithmetic3A = arith.constant 2 : i32
        %shift_right_arithmetic3A_250 = vector.broadcast %shift_right_arithmetic3A : i32 to vector<16xi32>
        %shift_right_arithmetic3A_251 = arith.shrsi %get3A_242, %shift_right_arithmetic3A_250 : vector<16xi32>
        %gather3A = tpu.vector_load_idx %arg7[%iota3A, %shift_right_arithmetic3A_251] : memref<16x512xi32, #tpu.memory_space<vmem>>[vector<16xi32>, vector<16xi32>], vector<16xi32>,
        %and3A_252 = arith.constant 3 : i32
        %and3A_253 = vector.broadcast %and3A_252 : i32 to vector<16xi32>
        %and3A_254 = arith.andi %get3A_242, %and3A_253 : vector<16xi32>
        %mul3A_255 = arith.constant 8 : i32
        %mul3A_256 = vector.broadcast %mul3A_255 : i32 to vector<16xi32>
        %mul3A_257 = arith.muli %and3A_254, %mul3A_256 : vector<16xi32>
        %shift_right_arithmetic3A_258 = arith.shrsi %gather3A, %mul3A_257 : vector<16xi32>
        %and3A_259 = arith.constant 1 : i32
        %and3A_260 = vector.broadcast %and3A_259 : i32 to vector<16xi32>
        %and3A_261 = arith.andi %shift_right_arithmetic3A_258, %and3A_260 : vector<16xi32>
        %eq3A_262 = arith.constant 0 : i32
        %eq3A_263 = vector.broadcast %eq3A_262 : i32 to vector<16xi32>
        %eq3A_264 = arith.cmpi eq, %and3A_261, %eq3A_263 : vector<16xi32>
        %scatter3A = arith.constant 0 : i32
        %scatter3A_265 = arith.constant 0 : i32
        %scatter3A_266 = tpu.memref_slice %arg6[%scan3A_215, %scatter3A, %scatter3A_265] : memref<2x16x2048xf32, #tpu.memory_space<vmem>> -> memref<1x16x2048xf32, #tpu.memory_space<vmem>>
        %scatter3A_267 = tpu.memref_squeeze %scatter3A_266 : memref<1x16x2048xf32, #tpu.memory_space<vmem>> -> memref<16x2048xf32, #tpu.memory_space<vmem>>
        tpu.vector_store_idx %scatter3A_267[%iota3A, %get3A_242], %get3A_249 masked %eq3A_264 {add = true} : memref<16x2048xf32, #tpu.memory_space<vmem>>[vector<16xi32>, vector<16xi32>], vector<16xf32>, vector<16xi1>
      }
      %scan3A_220 = arith.constant 64 : i32
      %dma_start3A_221 = arith.constant 1 : i32
      %dma_start3A_222 = arith.constant 0 : i32
      %dma_start3A_223 = arith.constant 0 : i32
      %dma_start3A_224 = tpu.memref_slice %arg6[%dma_start3A_221, %dma_start3A_222, %dma_start3A_223] : memref<2x16x2048xf32, #tpu.memory_space<vmem>> -> memref<1x16x2048xf32, #tpu.memory_space<vmem>>
      %dma_start3A_225 = tpu.memref_squeeze %dma_start3A_224 : memref<1x16x2048xf32, #tpu.memory_space<vmem>> -> memref<16x2048xf32, #tpu.memory_space<vmem>>
      %dma_start3A_226 = arith.constant 0 : i32
      %dma_start3A_227 = tpu.memref_slice %arg5[%select_n3A_184, %mul3A_202, %dma_start3A_226] : memref<12x2048x2048xf32, #tpu.memory_space<hbm>> -> memref<1x16x2048xf32, #tpu.memory_space<hbm>>
      %dma_start3A_228 = tpu.memref_squeeze %dma_start3A_227 : memref<1x16x2048xf32, #tpu.memory_space<hbm>> -> memref<16x2048xf32, #tpu.memory_space<hbm>>
      %dma_start3A_229 = arith.constant 0 : i32
      %dma_start3A_230 = tpu.memref_slice %arg5[%select_n3A_184, %mul3A_202, %dma_start3A_229] : memref<12x2048x2048xf32, #tpu.memory_space<hbm>> -> memref<1x16x2048xf32, #tpu.memory_space<hbm>>
      %dma_start3A_231 = tpu.memref_squeeze %dma_start3A_230 : memref<1x16x2048xf32, #tpu.memory_space<hbm>> -> memref<16x2048xf32, #tpu.memory_space<hbm>>
      %dma_start3A_232 = arith.constant 0 : i32
      %dma_start3A_233 = arith.constant 0 : i32
      %dma_start3A_234 = tpu.memref_slice %arg6[%dma_start3A_221, %dma_start3A_232, %dma_start3A_233] : memref<2x16x2048xf32, #tpu.memory_space<vmem>> -> memref<1x16x2048xf32, #tpu.memory_space<vmem>>
      %dma_start3A_235 = tpu.memref_squeeze %dma_start3A_234 : memref<1x16x2048xf32, #tpu.memory_space<vmem>> -> memref<16x2048xf32, #tpu.memory_space<vmem>>
      tpu.enqueue_dma source(%dma_start3A_235 : memref<16x2048xf32, #tpu.memory_space<vmem>>) target(%dma_start3A_231 : memref<16x2048xf32, #tpu.memory_space<hbm>>) target_semaphore(%arg11 : memref<!tpu.dma_semaphore, #tpu.memory_space<semaphore_mem>>)
    }
    %scan3A_12 = arith.constant 24 : i32
    %mul3A_13 = arith.constant 48 : i32
    %mul3A_14 = arith.muli %add3A, %mul3A_13 : i32
    %jit3A = arith.constant 128 : i32
    %div3A = arith.divsi %mul3A_14, %jit3A : i32
    %sign3A = arith.constant 0 : i32
    %sign3A_15 = arith.cmpi sgt, %mul3A_14, %sign3A : i32
    %sign3A_16 = arith.extui %sign3A_15 : i1 to i32
    %sign3A_17 = arith.constant 0 : i32
    %sign3A_18 = arith.cmpi slt, %mul3A_14, %sign3A_17 : i32
    %sign3A_19 = arith.extui %sign3A_18 : i1 to i32
    %sign3A_20 = arith.subi %sign3A_16, %sign3A_19 : i32
    %sign3A_21 = arith.constant 0 : i32
    %sign3A_22 = arith.cmpi sgt, %jit3A, %sign3A_21 : i32
    %sign3A_23 = arith.extui %sign3A_22 : i1 to i32
    %sign3A_24 = arith.constant 0 : i32
    %sign3A_25 = arith.cmpi slt, %jit3A, %sign3A_24 : i32
    %sign3A_26 = arith.extui %sign3A_25 : i1 to i32
    %sign3A_27 = arith.subi %sign3A_23, %sign3A_26 : i32
    %ne3A = arith.cmpi ne, %sign3A_20, %sign3A_27 : i32
    %rem3A = arith.remsi %mul3A_14, %jit3A : i32
    %ne3A_28 = arith.constant 0 : i32
    %ne3A_29 = arith.cmpi ne, %rem3A, %ne3A_28 : i32
    %and3A = arith.andi %ne3A, %ne3A_29 : i1
    %sub3A = arith.constant 1 : i32
    %sub3A_30 = arith.subi %div3A, %sub3A : i32
    %select_n3A = arith.select %and3A, %sub3A_30, %div3A : i32
    %jit3A_31 = arith.constant 128 : i32
    %eq3A = arith.constant 0 : i32
    %eq3A_32 = arith.cmpi eq, %jit3A_31, %eq3A : i32
    %jit3A_33 = arith.constant 1 : i32
    %select_n3A_34 = arith.select %eq3A_32, %jit3A_33, %jit3A_31 : i32
    %rem3A_35 = arith.remsi %mul3A_14, %select_n3A_34 : i32
    %ne3A_36 = arith.constant 0 : i32
    %ne3A_37 = arith.cmpi ne, %rem3A_35, %ne3A_36 : i32
    %lt3A = arith.constant 0 : i32
    %lt3A_38 = arith.cmpi slt, %rem3A_35, %lt3A : i32
    %lt3A_39 = arith.constant 0 : i32
    %lt3A_40 = arith.cmpi slt, %select_n3A_34, %lt3A_39 : i32
    %ne3A_41 = arith.xori %lt3A_38, %lt3A_40 : i1
    %and3A_42 = arith.andi %ne3A_41, %ne3A_37 : i1
    %add3A_43 = arith.addi %rem3A_35, %select_n3A_34 : i32
    %select_n3A_44 = arith.select %and3A_42, %add3A_43, %rem3A_35 : i32
    %mul3A_45 = arith.constant 16 : i32
    %mul3A_46 = arith.muli %select_n3A_44, %mul3A_45 : i32
    %dma_wait3A = arith.constant 0 : i32
    %dma_wait3A_47 = arith.constant 0 : i32
    %dma_wait3A_48 = arith.constant 0 : i32
    %dma_wait3A_49 = tpu.memref_slice %arg6[%dma_wait3A, %dma_wait3A_47, %dma_wait3A_48] : memref<2x16x2048xf32, #tpu.memory_space<vmem>> -> memref<1x16x2048xf32, #tpu.memory_space<vmem>>
    %dma_wait3A_50 = tpu.memref_squeeze %dma_wait3A_49 : memref<1x16x2048xf32, #tpu.memory_space<vmem>> -> memref<16x2048xf32, #tpu.memory_space<vmem>>
    %dma_wait3A_51 = arith.constant 0 : i32
    %dma_wait3A_52 = tpu.memref_slice %arg5[%select_n3A, %mul3A_46, %dma_wait3A_51] : memref<12x2048x2048xf32, #tpu.memory_space<hbm>> -> memref<1x16x2048xf32, #tpu.memory_space<hbm>>
    %dma_wait3A_53 = tpu.memref_squeeze %dma_wait3A_52 : memref<1x16x2048xf32, #tpu.memory_space<hbm>> -> memref<16x2048xf32, #tpu.memory_space<hbm>>
    %dma_wait3A_54 = arith.constant 0 : i32
    %dma_wait3A_55 = tpu.memref_slice %arg5[%select_n3A, %mul3A_46, %dma_wait3A_54] : memref<12x2048x2048xf32, #tpu.memory_space<hbm>> -> memref<1x16x2048xf32, #tpu.memory_space<hbm>>
    %dma_wait3A_56 = tpu.memref_squeeze %dma_wait3A_55 : memref<1x16x2048xf32, #tpu.memory_space<hbm>> -> memref<16x2048xf32, #tpu.memory_space<hbm>>
    %dma_wait3A_57 = arith.constant 0 : i32
    %dma_wait3A_58 = arith.constant 0 : i32
    %dma_wait3A_59 = tpu.memref_slice %arg6[%dma_wait3A, %dma_wait3A_57, %dma_wait3A_58] : memref<2x16x2048xf32, #tpu.memory_space<vmem>> -> memref<1x16x2048xf32, #tpu.memory_space<vmem>>
    %dma_wait3A_60 = tpu.memref_squeeze %dma_wait3A_59 : memref<1x16x2048xf32, #tpu.memory_space<vmem>> -> memref<16x2048xf32, #tpu.memory_space<vmem>>
    tpu.wait_dma2 semaphore(%arg10 : memref<!tpu.dma_semaphore, #tpu.memory_space<semaphore_mem>>) src(%dma_wait3A_60 : memref<16x2048xf32, #tpu.memory_space<vmem>>) dst(%dma_wait3A_56 : memref<16x2048xf32, #tpu.memory_space<hbm>>)
    %dma_wait3A_61 = arith.constant 1 : i32
    %dma_wait3A_62 = arith.constant 0 : i32
    %dma_wait3A_63 = arith.constant 0 : i32
    %dma_wait3A_64 = tpu.memref_slice %arg6[%dma_wait3A_61, %dma_wait3A_62, %dma_wait3A_63] : memref<2x16x2048xf32, #tpu.memory_space<vmem>> -> memref<1x16x2048xf32, #tpu.memory_space<vmem>>
    %dma_wait3A_65 = tpu.memref_squeeze %dma_wait3A_64 : memref<1x16x2048xf32, #tpu.memory_space<vmem>> -> memref<16x2048xf32, #tpu.memory_space<vmem>>
    %dma_wait3A_66 = arith.constant 0 : i32
    %dma_wait3A_67 = tpu.memref_slice %arg5[%select_n3A, %mul3A_46, %dma_wait3A_66] : memref<12x2048x2048xf32, #tpu.memory_space<hbm>> -> memref<1x16x2048xf32, #tpu.memory_space<hbm>>
    %dma_wait3A_68 = tpu.memref_squeeze %dma_wait3A_67 : memref<1x16x2048xf32, #tpu.memory_space<hbm>> -> memref<16x2048xf32, #tpu.memory_space<hbm>>
    %dma_wait3A_69 = arith.constant 0 : i32
    %dma_wait3A_70 = tpu.memref_slice %arg5[%select_n3A, %mul3A_46, %dma_wait3A_69] : memref<12x2048x2048xf32, #tpu.memory_space<hbm>> -> memref<1x16x2048xf32, #tpu.memory_space<hbm>>
    %dma_wait3A_71 = tpu.memref_squeeze %dma_wait3A_70 : memref<1x16x2048xf32, #tpu.memory_space<hbm>> -> memref<16x2048xf32, #tpu.memory_space<hbm>>
    %dma_wait3A_72 = arith.constant 0 : i32
    %dma_wait3A_73 = arith.constant 0 : i32
    %dma_wait3A_74 = tpu.memref_slice %arg6[%dma_wait3A_61, %dma_wait3A_72, %dma_wait3A_73] : memref<2x16x2048xf32, #tpu.memory_space<vmem>> -> memref<1x16x2048xf32, #tpu.memory_space<vmem>>
    %dma_wait3A_75 = tpu.memref_squeeze %dma_wait3A_74 : memref<1x16x2048xf32, #tpu.memory_space<vmem>> -> memref<16x2048xf32, #tpu.memory_space<vmem>>
    tpu.wait_dma2 semaphore(%arg11 : memref<!tpu.dma_semaphore, #tpu.memory_space<semaphore_mem>>) src(%dma_wait3A_75 : memref<16x2048xf32, #tpu.memory_space<vmem>>) dst(%dma_wait3A_71 : memref<16x2048xf32, #tpu.memory_space<hbm>>)
    return
  }
}

</mosaic_0001>

<sc_bundles>
// kernel: kernel.4.cloned.1.call-start
scs
__scs_entry_jumppad:
0x0: {  	(pc) =	sbr.rel $0x88, $3  }
0x1: {  	(tag) =	ssettag $0x0;
	lr =	simm.s32 $0x1  }
0x2: {  	[smem:$0x3F9E] =	sst lr;
	_ =	strace $0xD0000000  }
0x3: {  	_ = 	snop  }
0x4: {  	_ = 	snop  }
0x5: {  	_ = 	snop  }
0x6: {  	_ = 	snop  }
0x7: {  	_ = 	snop  }
__scs_overlays_trampoline_lowered:
0x8: {  	[smem:$0x3FAD] =	sst s0  }
0x9: {  	[smem:$0x3FAE] =	sst s1  }
0xa: {  	[smem:$0x3FAF] =	sst s2  }
0xb: {  	[smem:$0x3FB0] =	sst s3  }
0xc: {  	[smem:$0x3FB1] =	sst s4  }
0xd: {  	[smem:$0x3FB2] =	sst s5  }
0xe: {  	[smem:$0x3FB3] =	sst s6  }
0xf: {  	[smem:$0x3FB4] =	sst s7  }
0x10: {  	[smem:$0x3FB5] =	sst s8  }
0x11: {  	[smem:$0x3FB6] =	sst s9;
	s0 =	simm.s32 @!p0 $0x0  }
0x12: {  	s1 =	sld [smem:$0x3F9C];
	s0 =	simm.s32 @p0 $0x1  }
0x13: {  	[smem:$0x3FB7] =	sst s0;
	s0 =	simm.s32 @!p1 $0x0  }
0x14: {  	s2 =	sld [smem:$0x3F9B];
	s0 =	simm.s32 @p1 $0x1  }
0x15: {  	[smem:$0x3FB8] =	sst s0;
	s0 =	simm.s32 @!p2 $0x0  }
0x16: {  	s3 =	sld [smem:$0x3FDB];
	s0 =	simm.s32 @p2 $0x1  }
0x17: {  	s4 =	simm.s32 $0x1BF5;
	[smem:$0x3FBA] =	sst s0  }
0x18: {  	s0 =	sld [smem:$0x3F9D];
	_ =	swait.ge [sflag:s4], $0x0  }
0x19: {  	s7 =	sld [smem:$0x3F9E]  }
0x1a: {  	s8 =	sadd.s32 $0xFFFFE003, lr  }
0x1b: {  	s9 =	sadd.s32 $0xFFFFFEF7, lr;
	s5 =	simm.s32 $0xFFFFFFFF;
	p2 =	slt.u32 s8, $0xFFFFF086  }
0x1c: {  	p1 =	slt.u32 s9, $0xF7A;
	s5 =	simm.s32 @!p2 $0x0  }
0x1d: {  	s5 =	simm.s32 @p1 $0x1;
	p0 =	seq.s32 s7, s2  }
0x1e: {  	s7 =	smul.u32 @!p0 $0xF7A, s2;
	p2 =	seq.s32 @!p0 s5, $0x0  }
0x1f: {  	s9 =	smul.u32 $0xF7A, s1;
	s8 =	simm.s32 @!p0 $0x1BF5;
	p2 =	por !p2, p0  }
0x20: {  	[sflag:s8] =	ssyncset.s32 @!p0 $0xFFFFF086;
	s6 =	sadd.s32 @!p0 s3, s7;
	s7 =	simm.s32 @!p0 $0x108  }
0x21: {  	s3 =	sadd.s32 s3, s9;
	s6 =	sadd.s32 @!p0 $0x88, s6;
	s7 =	simm.s32 @p2 $0x1082  }
0x22: {  	[simem:s7], [sflag:s8] =	dma.local @!p0 [hbm:s6], $0xF7A  }
0x23: {  	s9 =	sor.u32 $0xD0000000, s2;
	s6 =	simm.s32 $0x108;
	_ =	swait.ge @!p0 [sflag:s8], $0x0  }
0x24: {  	s3 =	sadd.s32 $0x88, s3;
	s6 =	simm.s32 @!p1 $0x1082;
	[sflag:s4] =	ssyncset.s32 $0xFFFFF086  }
0x25: {  	[simem:s6], [sflag:s4] =	dma.local [hbm:s3], $0xF7A  }
0x26: {  	[smem:$0x3F9E] =	sst s1;
	(tag) =	ssettag s2;
	_ =	strace s9  }
0x27: {  	s1 =	sld [smem:$0x3FAE]  }
0x28: {  	s2 =	sld [smem:$0x3FAF]  }
0x29: {  	s4 =	sld [smem:$0x3FB1]  }
0x2a: {  	p0 =	seq.s32 s5, $0x0;
	s5 =	sld [smem:$0x3FB2]  }
0x2b: {  	s6 =	sld [smem:$0x3FB3]  }
0x2c: {  	s7 =	sld [smem:$0x3FB4]  }
0x2d: {  	s3 =	simm.s32 $0x108;
	s8 =	sld [smem:$0x3FB5]  }
0x2e: {  	s3 =	simm.s32 @!p0 $0x1082;
	s9 =	sld [smem:$0x3FB6]  }
0x2f: {  	lr =	sadd.s32 s0, s3;
	s0 =	sld [smem:$0x3FAD]  }
0x30: {  	s3 =	sld [smem:$0x3FB0]  }
0x31: {  	[smem:$0x3FB9] =	sst s10  }
0x32: {  	s10 =	sld [smem:$0x3FB7];
	_ =	sdelay $0x3  }
0x33: {  	p0 =	seq.s32 s10, $0x1;
	s10 =	sld [smem:$0x3FB9];
	_ =	sdelay $0x3  }
0x34: {  	[smem:$0x3FB9] =	sst s10  }
0x35: {  	s10 =	sld [smem:$0x3FB8];
	_ =	sdelay $0x3  }
0x36: {  	p1 =	seq.s32 s10, $0x1;
	s10 =	sld [smem:$0x3FB9];
	_ =	sdelay $0x3  }
0x37: {  	[smem:$0x3FB9] =	sst s10  }
0x38: {  	s10 =	sld [smem:$0x3FBA]  }
0x39: {  	_ = 	snop;
	(pc) =	sbr.ind lr, $3  }
0x3a: {  	_ = 	snop  }
0x3b: {  	_ = 	snop  }
0x3c: {  	p2 =	seq.s32 s10, $0x1;
	s10 =	sld [smem:$0x3FB9]  }
0x3d: {  	_ =	shalt  }
0x3e: {  	_ =	shalt  }
0x3f: {  	_ =	shalt  }
0x40: {  	_ =	shalt  }
0x41: {  	_ =	shalt  }
0x42: {  	_ =	shalt  }
0x43: {  	_ =	shalt  }
0x44: {  	_ =	shalt  }
0x45: {  	_ =	shalt  }
0x46: {  	_ =	shalt  }
0x47: {  	_ =	shalt  }
0x48: {  	_ =	shalt  }
0x49: {  	_ =	shalt  }
0x4a: {  	_ =	shalt  }
0x4b: {  	_ =	shalt  }
0x4c: {  	_ =	shalt  }
0x4d: {  	_ =	shalt  }
0x4e: {  	_ =	shalt  }
0x4f: {  	_ =	shalt  }
0x50: {  	_ =	shalt  }
0x51: {  	_ =	shalt  }
0x52: {  	_ =	shalt  }
0x53: {  	_ =	shalt  }
0x54: {  	_ =	shalt  }
0x55: {  	_ =	shalt  }
0x56: {  	_ =	shalt  }
0x57: {  	_ =	shalt  }
0x58: {  	_ =	shalt  }
0x59: {  	_ =	shalt  }
0x5a: {  	_ =	shalt  }
0x5b: {  	_ =	shalt  }
0x5c: {  	_ =	shalt  }
0x5d: {  	_ =	shalt  }
0x5e: {  	_ =	shalt  }
0x5f: {  	_ =	shalt  }
0x60: {  	_ =	shalt  }
0x61: {  	_ =	shalt  }
0x62: {  	_ =	shalt  }
0x63: {  	_ =	shalt  }
0x64: {  	_ =	shalt  }
0x65: {  	_ =	shalt  }
0x66: {  	_ =	shalt  }
0x67: {  	_ =	shalt  }
0x68: {  	_ =	shalt  }
0x69: {  	_ =	shalt  }
0x6a: {  	_ =	shalt  }
0x6b: {  	_ =	shalt  }
0x6c: {  	_ =	shalt  }
0x6d: {  	_ =	shalt  }
0x6e: {  	_ =	shalt  }
0x6f: {  	_ =	shalt  }
0x70: {  	_ =	shalt  }
0x71: {  	_ =	shalt  }
0x72: {  	_ =	shalt  }
0x73: {  	_ =	shalt  }
0x74: {  	_ =	shalt  }
0x75: {  	_ =	shalt  }
0x76: {  	_ =	shalt  }
0x77: {  	_ =	shalt  }
0x78: {  	_ =	shalt  }
0x79: {  	_ =	shalt  }
0x7a: {  	_ =	shalt  }
0x7b: {  	_ =	shalt  }
0x7c: {  	_ =	shalt  }
0x7d: {  	_ =	shalt  }
0x7e: {  	_ =	shalt  }
0x7f: {  	_ =	shalt  }
0x80: {  	_ =	shalt  }
0x81: {  	_ =	shalt  }
0x82: {  	_ =	shalt  }
0x83: {  	_ =	shalt  }
0x84: {  	_ =	shalt  }
0x85: {  	_ =	shalt  }
0x86: {  	_ =	shalt  }
0x87: {  	_ =	shalt  }
.Lfunc_end0:
.L_simem_size_0:
called_computation.3_lowered:
.L_overlay_start_0:
0x88: {  	s2 =	sld [smem:$0x3FD9]  }
0x89: {  	s3 =	sld [smem:$0x3FFE];
	_ =	sdelay $0x1  }
0x8a: {  	s1 =	srdreg.scid  }
0x8b: {  	s0 =	sand.u32 $0x1, s1  }
0x8c: {  	s17 =	sshll.u32 s0, $0xA;
	s2 =	sadd.s32 s3, s2  }
0x8d: {  	s2 =	sadd.s32 s2, s17  }
0x8e: {  	[smem:$0x3FC5] =	sst s2  }
0x8f: {  	_ = 	snop  }
0x90: {  	(tm) =	ssettm $0x1  }
0x91: {  	s18 =	sld [smem:$0x3FFB];
	_ =	sdelay $0x3  }
0x92: {  	_ =	strace s18  }
0x93: {  	s2 =	sld [smem:$0x3FFC];
	_ =	sdelay $0x3  }
0x94: {  	_ =	strace s2  }
0x95: {  	s2 =	sld [smem:$0x3FFD];
	_ =	sdelay $0x3  }
0x96: {  	_ =	strace s2  }
0x97: {  	_ =	strace $0x8FFFFFFF  }
0x98: {  	s19 =	sld [smem:$0x3FDB];
	_ =	sdelay $0x1  }
0x99: {  	s20 =	simm.s32 $_scs_section_size  }
0x9a: {  	s4 =	simm.s32 $_size__tile_overlayer_lowered;
	s5 =	simm.s32 $_tile_overlayer_lowered  }
0x9b: {  	s6 =	simm.s32 $0x1BFF;
	s21 =	sshll.u32 s5, $0x1;
	s3 =	sadd.s32 s20, s19  }
0x9c: {  	s22 =	simm.s32 $0x0;
	s4 =	sshll.u32 s4, $0x1;
	s5 =	sadd.s32 s21, s3  }
0x9d: {  	[timem:s22], [sflag:s6] =	dma.local [hbm:s5], s4  }
0x9e: {  	_ =	swait.ge [sflag:s6], s4  }
0x9f: {  	s4 =	ssub.s32 $0x0, s4;
	[sflag:s6] =	ssyncset.done $0x0  }
0xa0: {  	[sflag:s6] =	ssyncadd.s32 s4;
	_ =	sdelay $0x1  }
0xa1: {  	s23 =	simm.s32 $0x1B8B  }
0xa2: {  	_ =	swait.ge [sflag:s23], $0x1  }
0xa3: {  	[sflag:s23] =	ssyncset.done $0x0  }
0xa4: {  	[sflag:s23] =	ssyncadd.s32 $0xFFFFFFFF  }
0xa5: {  	s4 =	sld [smem:$0x0]  }
0xa6: {  	s5 =	sand.u32 $0xFFFFFFFE, s1  }
0xa7: {  	p0 =	sne.s32 s1, s5  }
0xa8: {  	s5 =	sshll.u32 @p0 s5, $0xE  }
0xa9: {  	s5 =	sadd.s32 @p0 $0x11B8D, s5;
	s6 =	sshll.u32 @p0 s4, $0x11  }
0xaa: {  	s5 =	sor.u32 @p0 s6, s5  }
0xab: {  	[sflag:s5] =	ssyncadd.remote.s32 @p0 $0x1;
	_ =	sdelay $0x1  }
0xac: {  	s5 =	simm.s32 @p0 $0x1B8D  }
0xad: {  	_ =	swait.eq @p0 [sflag:s5], $0x1  }
0xae: {  	[sflag:s5] =	ssyncadd.s32 @p0 $0xFFFFFFFF  }
0xaf: {  	s6 =	sshll.u32 @!p0 s1, $0xE  }
0xb0: {  	s6 =	sor.u32 @!p0 $0x4000, s6;
	s5 =	simm.s32 @!p0 $0x1B8D  }
0xb1: {  	s4 =	sshll.u32 @!p0 s4, $0x11;
	s6 =	sadd.s32 @!p0 $0x11B8D, s6;
	_ =	swait.eq @!p0 [sflag:s5], $0x1  }
0xb2: {  	s4 =	sor.u32 @!p0 s4, s6;
	[sflag:s5] =	ssyncadd.s32 @!p0 $0xFFFFFFFF  }
0xb3: {  	s25 =	simm.s32 $0x1B8E;
	s24 =	sld [smem:$0x3FFE];
	[sflag:s4] =	ssyncadd.remote.s32 @!p0 $0x1  }
0xb4: {  	s26 =	simm.s32 $execute0_lowered;
	[smem:$0x3FD2] =	sst s25  }
0xb5: {  	s5 =	sshll.u32 s26, $0x1;
	_ =	strace $0x8000004F;
	[dreg:$0x1] =	wrdreg $0xFFFFFFFF  }
0xb6: {  	s28 =	simm.s32 $_size_execute0_lowered;
	s3 =	sadd.s32 s3, s5;
	[dreg:$0x0] =	wrdreg $0x0  }
0xb7: {  	s5 =	sshll.u32 s28, $0x1;
	[dreg:$0x2] =	wrdreg s3  }
0xb8: {  	[dreg:$0x3] =	wrdreg s5  }
0xb9: {  	[dreg:$0x4] =	wrdreg $0xC0  }
0xba: {  	_ =	task [dreg:s22], $0x5FFFF  }
0xbb: {  	[dreg:$0x1] =	wrdreg $0xFFFFFFFF  }
0xbc: {  	[dreg:$0x0] =	wrdreg $0x60  }
0xbd: {  	[dreg:$0x2] =	wrdreg s24  }
0xbe: {  	[dreg:$0x3] =	wrdreg $0xA  }
0xbf: {  	_ =	task.clear_ibuf [dreg:s22], $0x4FFFF;
	_ =	strace $0x9000004F  }
0xc0: {  	s29 =	simm.s32 $0xA;
	_ =	strace $0x80000051  }
0xc1: {  	_ =	swait.ge [sflag:s29], $0x1  }
0xc2: {  	[sflag:s29] =	ssyncadd.s32 $0xFFFFFFFF  }
0xc3: {  	_ =	strace $0x90000051  }
0xc4: {  	_ =	sfence  }
0xc5: {  	s30 =	sld [smem:$0x0];
	_ =	sdelay $0x2  }
0xc6: {  	s31 =	sshll.u32 s1, $0xD;
	s1 =	sshrl.u32 s1, $0x2  }
0xc7: {  	s4 =	sand.u32 $0x4000, s31;
	s1 =	sadd.s32 s1, s30  }
0xc8: {  	s0 =	sor.u32 s4, s0;
	s1 =	sshll.u32 s1, $0x11  }
0xc9: {  	s0 =	sor.u32 s1, s0  }
0xca: {  	s0 =	sadd.s32 $0x8F2B, s0  }
0xcb: {  	[sflag:s0] =	ssyncadd.remote.s32 $0x1  }
0xcc: {  	_ =	sfence.sel $0xFFFF  }
0xcd: {  	[dreg:$0x0] =	wrdreg $0xFFFFFFFF;
	(pc) =	sbr.abs _section_cstart, $3  }
0xce: {  	[dreg:$0x1] =	wrdreg $0xFFFFFFFF  }
0xcf: {  	_ =	task.clear_ibuf [dreg:s22], $0x2FFFF;
	_ =	strace $0x9FFFFFFF  }
0xd0: {  	(tm) =	ssettm $0x7FFFFFFF  }
0xd1: {  	_ =	shalt  }
tec
execute0_lowered:
.L_overlay_start_1:
0x0: {  	(tag) =	ssettag $0x1  }
0x1: {  	s8 =	rddreg [dreg:$0x0]  }
0x2: {  	s0 =	rddreg [dreg:$0x1];
	s1 =	simm.s32 $0x0;
	s3 =	srdreg.scid  }
0x3: {  	s13 =	simm.s32 $0x1000;
	s14 =	simm.s32 $0x1800;
	s15 =	simm.s32 $0x2000  }
0x4: {  	s16 =	simm.s32 $0x2800;
	s17 =	simm.s32 $0x0;
	[smem:$0x7FF] =	sst s1  }
0x5: {  	s2 =	sadd.s32 $0x1B0000, s8;
	s4 =	sadd.s32 $0x180000, s8;
	s5 =	sadd.s32 $0x210000, s8  }
0x6: {  	s9 =	sand.u32 $0x1, s3;
	s6 =	sadd.s32 $0x1E0000, s8;
	s3 =	stileid.u32  }
0x7: {  	s7 =	sadd.s32 $0x240000, s8;
	s8 =	sadd.s32 $0x270000, s8;
	s10 =	ssub.s32 $0x2, s9  }
0x8: {  	_ =	strace $0x80000050;
	s12 =	sshll.u32 s3, $0x1;
	s11 =	sshrl.u32 s10, $0x1  }
0x9: {  	s9 =	sor.u32 s9, s12;
	s12 =	simm.s32 $0x800;
	s10 =	ssub.s32 s10, s11  }
0xa: {  	s9 =	smul.u32 $0x18, s9;
	s11 =	simm.s32 $0x1;
	s10 =	smax.u32 s10, $0x1  }
.LBB2_1:
0xb: {  	s18 =	simm.s32 $0x0  }
.LBB2_2:
0xc: {  	s19 =	sadd.s32 s9, s18  }
0xd: {  	s19 =	sshll.u32 s19, $0x8  }
0xe: {  	s21 =	simm.s32 $0x0;
	s20 =	sadd.s32 s2, s19  }
0xf: {  	[tilespmem:s21], [sflag:$0x1] =	stream.linear.gather [hbm4b:s20+s21], $0x800, $0x38;
	[tilespmem:$0x3000] =	vst v63  }
0x10: {  	_ =	swait.ge [sflag:s11], $0x800  }
0x11: {  	[sflag:s11] =	ssyncset.done $0x0  }
0x12: {  	s29 =	sadd.s32 s4, s19;
	[sflag:s11] =	ssyncadd.s32 $0xFFFFF800  }
0x13: {  	[tilespmem:s12], [sflag:$0x1] =	stream.linear.gather [hbm4b:s29+s21], $0x800, $0x38;
	[tilespmem:$0x3000] =	vst v63  }
0x14: {  	_ =	swait.ge [sflag:s11], $0x800  }
0x15: {  	[sflag:s11] =	ssyncset.done $0x0  }
0x16: {  	s30 =	sadd.s32 s5, s19;
	[sflag:s11] =	ssyncadd.s32 $0xFFFFF800  }
0x17: {  	[tilespmem:s13], [sflag:$0x1] =	stream.linear.gather [hbm4b:s30+s21], $0x800, $0x38;
	[tilespmem:$0x3000] =	vst v63  }
0x18: {  	_ =	swait.ge [sflag:s11], $0x800  }
0x19: {  	[sflag:s11] =	ssyncset.done $0x0  }
0x1a: {  	s31 =	sadd.s32 s6, s19;
	[sflag:s11] =	ssyncadd.s32 $0xFFFFF800  }
0x1b: {  	[tilespmem:s14], [sflag:$0x1] =	stream.linear.gather [hbm4b:s31+s21], $0x800, $0x38;
	[tilespmem:$0x3000] =	vst v63  }
0x1c: {  	_ =	swait.ge [sflag:s11], $0x800  }
0x1d: {  	[sflag:s11] =	ssyncset.done $0x0  }
0x1e: {  	s21 =	simm.s32 $0x0;
	[sflag:s11] =	ssyncadd.s32 $0xFFFFF800  }
0x1f: {  	s20 =	simm.s32 $0x40;
	v0 =	vld [tilespmem:s21+$0x1800]  }
.LBB2_3:
0x20: {  	p0 =	sne.s32 s20, $0x1FC0;
	v1 =	vld [tilespmem:s21+$0x1000];
	_ =	sdelay $0x6  }
0x21: {  	v2 =	vld.idx.msk [tilespmem:v0+s12+$0x0], $0xffff  }
0x22: {  	v3 =	vld.idx.msk [tilespmem:v1+s1+$0x0], $0xffff;
	[tilespmem:v1+s15+$0x0] =	vst.idx.msk $0xffff, v0;
	_ =	sdelay $0x5  }
0x23: {  	v0 =	vsub.f32 v3, v2;
	_ =	sdelay $0x1  }
0x24: {  	v0 =	vmul.f32 v0, v0;
	_ =	sdelay $0x1  }
0x25: {  	v0 =	vsub.f32 $0.0e+00, v0;
	_ =	sdelay $0x1  }
0x26: {  	v0 =	vmul.f32 $1.442695020e+00, v0;
	_ =	sdelay $0x1  }
0x27: {  	(erf) = vpow2.f32 v0;
	_ =	sdelay $0x8  }
.Ltmp0:
0x28: {  	v0 =	vpop (erf);
	(pc) =	sbr.rel @p0 .LBB2_3-.Ltmp0, $3  }
0x29: {  	v0 =	vmul.f32 $1.562500000e-02, v0;
	_ =	sdelay $0x1  }
0x2a: {  	s21 =	sshra.s32 s20, $0x2;
	[tilespmem:v1+s16+$0x0] =	vst.idx.msk $0xffff, v0  }
0x2b: {  	s20 =	sadd.s32 $0x40, s20;
	v0 =	vld [tilespmem:s21+$0x1800]  }
0x2c: {  	_ = 	snop  }
0x2d: {  	v1 =	vld [tilespmem:s21+$0x1000];
	_ =	sdelay $0x6  }
0x2e: {  	v2 =	vld.idx.msk [tilespmem:v0+s12+$0x0], $0xffff  }
0x2f: {  	v3 =	vld.idx.msk [tilespmem:v1+s1+$0x0], $0xffff;
	_ =	sdelay $0x4  }
0x30: {  	v2 =	vsub.f32 v3, v2;
	_ =	sdelay $0x1  }
0x31: {  	v2 =	vmul.f32 v2, v2;
	_ =	sdelay $0x1  }
0x32: {  	v2 =	vsub.f32 $0.0e+00, v2;
	_ =	sdelay $0x1  }
0x33: {  	v2 =	vmul.f32 $1.442695020e+00, v2;
	_ =	sdelay $0x1  }
0x34: {  	(erf) = vpow2.f32 v2;
	_ =	sdelay $0x8  }
0x35: {  	v2 =	vpop (erf)  }
0x36: {  	v2 =	vmul.f32 $1.562500000e-02, v2  }
0x37: {  	[tilespmem:v1+s15+$0x0] =	vst.idx.msk $0xffff, v0  }
0x38: {  	s20 =	sadd.s32 s7, s19;
	[tilespmem:v1+s16+$0x0] =	vst.idx.msk $0xffff, v2  }
0x39: {  	[hbm4b:s20+s1] =	stream.linear.scatter [tilespmem:s15], [sflag:$0x1], $0x800, $0x38;
	[tilespmem:$0x3000] =	vst v63  }
0x3a: {  	s18 =	sadd.s32 $0x1, s18;
	_ =	swait.ge [sflag:s11], $0x800  }
0x3b: {  	p0 =	sne.s32 s18, $0x18;
	[sflag:s11] =	ssyncset.done $0x0  }
.Ltmp1:
0x3c: {  	s31 =	sadd.s32 s8, s19;
	[sflag:s11] =	ssyncadd.s32 $0xFFFFF800;
	(pc) =	sbr.rel @p0 .LBB2_2-.Ltmp1, $4  }
0x3d: {  	[hbm4b:s31+s1] =	stream.linear.scatter [tilespmem:s16], [sflag:$0x1], $0x800, $0x38;
	[tilespmem:$0x3000] =	vst v63  }
0x3e: {  	_ =	swait.ge [sflag:s11], $0x800  }
0x3f: {  	[sflag:s11] =	ssyncset.done $0x0  }
0x40: {  	[sflag:s11] =	ssyncadd.s32 $0xFFFFF800  }
0x41: {  	s17 =	sadd.s32 $0x1, s17  }
0x42: {  	p0 =	sne.s32 s17, s10  }
.Ltmp2:
0x43: {  	_ = 	snop;
	(pc) =	sbr.rel @p0 .LBB2_1-.Ltmp2, $1  }
0x44: {  	_ =	sdelay $0x3  }
0x45: {  	_ =	sfence.sel $0x180000  }
0x46: {  	[bflag:$0x0] =	sbarrier.arrive $0xFFFF  }
0x47: {  	p0 =	sne.s32 s3, $0x0;
	_ =	strace $0x90000050  }
0x48: {  	s0 =	sadd.s32 @!p0 $0x100000, s0;
	[bflag:$0x2] =	sbarrier.arrive $0xFFFF  }
0x49: {  	[sflag:s0] =	ssyncadd.tile.s32 @!p0 $0x1;
	_ =	shalt  }
.Lfunc_end2:
_tile_overlayer_lowered:
.L_overlay_start_2:
0x4a: {  	(tag) =	ssettag $0x2  }
0x4b: {  	s0 =	rddreg [dreg:$0x0];
	s2 =	stileid.u32  }
0x4c: {  	s1 =	rddreg [dreg:$0x1];
	p0 =	sne.s32 s2, $0x0  }
0x4d: {  	s3 =	rddreg [dreg:$0x2];
	[bflag:$0x3] =	sbarrier.arrive $0xFFFF;
	s2 =	simm.s32 @!p0 $0x1C01  }
0x4e: {  	[timem:s3], [sflag:s2] =	dma.local @!p0 [hbm:s0], s1  }
0x4f: {  	s0 =	simm.s32 @!p0 $0x1  }
0x50: {  	_ =	swait.ge @!p0 [sflag:s0], s1  }
0x51: {  	s1 =	ssub.s32 @!p0 $0x0, s1;
	[sflag:s0] =	ssyncset.done @!p0 $0x0  }
0x52: {  	[sflag:s0] =	ssyncadd.s32 @!p0 s1  }
0x53: {  	[bflag:$0x3] =	sbarrier.arrive $0xFFFF  }
0x54: {  	_ =	shalt  }

// kernel: kernel.7.cloned.1.call-start
scs
__scs_entry_jumppad:
0x0: {  	(pc) =	sbr.rel $0x88, $3  }
0x1: {  	(tag) =	ssettag $0x0;
	lr =	simm.s32 $0x1  }
0x2: {  	[smem:$0x3F9E] =	sst lr;
	_ =	strace $0xD0000000  }
0x3: {  	_ = 	snop  }
0x4: {  	_ = 	snop  }
0x5: {  	_ = 	snop  }
0x6: {  	_ = 	snop  }
0x7: {  	_ = 	snop  }
__scs_overlays_trampoline_lowered:
0x8: {  	[smem:$0x3FAD] =	sst s0  }
0x9: {  	[smem:$0x3FAE] =	sst s1  }
0xa: {  	[smem:$0x3FAF] =	sst s2  }
0xb: {  	[smem:$0x3FB0] =	sst s3  }
0xc: {  	[smem:$0x3FB1] =	sst s4  }
0xd: {  	[smem:$0x3FB2] =	sst s5  }
0xe: {  	[smem:$0x3FB3] =	sst s6  }
0xf: {  	[smem:$0x3FB4] =	sst s7  }
0x10: {  	[smem:$0x3FB5] =	sst s8  }
0x11: {  	[smem:$0x3FB6] =	sst s9;
	s0 =	simm.s32 @!p0 $0x0  }
0x12: {  	s1 =	sld [smem:$0x3F9C];
	s0 =	simm.s32 @p0 $0x1  }
0x13: {  	[smem:$0x3FB7] =	sst s0;
	s0 =	simm.s32 @!p1 $0x0  }
0x14: {  	s2 =	sld [smem:$0x3F9B];
	s0 =	simm.s32 @p1 $0x1  }
0x15: {  	[smem:$0x3FB8] =	sst s0;
	s0 =	simm.s32 @!p2 $0x0  }
0x16: {  	s3 =	sld [smem:$0x3FDB];
	s0 =	simm.s32 @p2 $0x1  }
0x17: {  	s4 =	simm.s32 $0x1BF5;
	[smem:$0x3FBA] =	sst s0  }
0x18: {  	s0 =	sld [smem:$0x3F9D];
	_ =	swait.ge [sflag:s4], $0x0  }
0x19: {  	s7 =	sld [smem:$0x3F9E]  }
0x1a: {  	s8 =	sadd.s32 $0xFFFFE003, lr  }
0x1b: {  	s9 =	sadd.s32 $0xFFFFFEF7, lr;
	s5 =	simm.s32 $0xFFFFFFFF;
	p2 =	slt.u32 s8, $0xFFFFF086  }
0x1c: {  	p1 =	slt.u32 s9, $0xF7A;
	s5 =	simm.s32 @!p2 $0x0  }
0x1d: {  	s5 =	simm.s32 @p1 $0x1;
	p0 =	seq.s32 s7, s2  }
0x1e: {  	s7 =	smul.u32 @!p0 $0xF7A, s2;
	p2 =	seq.s32 @!p0 s5, $0x0  }
0x1f: {  	s9 =	smul.u32 $0xF7A, s1;
	s8 =	simm.s32 @!p0 $0x1BF5;
	p2 =	por !p2, p0  }
0x20: {  	[sflag:s8] =	ssyncset.s32 @!p0 $0xFFFFF086;
	s6 =	sadd.s32 @!p0 s3, s7;
	s7 =	simm.s32 @!p0 $0x108  }
0x21: {  	s3 =	sadd.s32 s3, s9;
	s6 =	sadd.s32 @!p0 $0x88, s6;
	s7 =	simm.s32 @p2 $0x1082  }
0x22: {  	[simem:s7], [sflag:s8] =	dma.local @!p0 [hbm:s6], $0xF7A  }
0x23: {  	s9 =	sor.u32 $0xD0000000, s2;
	s6 =	simm.s32 $0x108;
	_ =	swait.ge @!p0 [sflag:s8], $0x0  }
0x24: {  	s3 =	sadd.s32 $0x88, s3;
	s6 =	simm.s32 @!p1 $0x1082;
	[sflag:s4] =	ssyncset.s32 $0xFFFFF086  }
0x25: {  	[simem:s6], [sflag:s4] =	dma.local [hbm:s3], $0xF7A  }
0x26: {  	[smem:$0x3F9E] =	sst s1;
	(tag) =	ssettag s2;
	_ =	strace s9  }
0x27: {  	s1 =	sld [smem:$0x3FAE]  }
0x28: {  	s2 =	sld [smem:$0x3FAF]  }
0x29: {  	s4 =	sld [smem:$0x3FB1]  }
0x2a: {  	p0 =	seq.s32 s5, $0x0;
	s5 =	sld [smem:$0x3FB2]  }
0x2b: {  	s6 =	sld [smem:$0x3FB3]  }
0x2c: {  	s7 =	sld [smem:$0x3FB4]  }
0x2d: {  	s3 =	simm.s32 $0x108;
	s8 =	sld [smem:$0x3FB5]  }
0x2e: {  	s3 =	simm.s32 @!p0 $0x1082;
	s9 =	sld [smem:$0x3FB6]  }
0x2f: {  	lr =	sadd.s32 s0, s3;
	s0 =	sld [smem:$0x3FAD]  }
0x30: {  	s3 =	sld [smem:$0x3FB0]  }
0x31: {  	[smem:$0x3FB9] =	sst s10  }
0x32: {  	s10 =	sld [smem:$0x3FB7];
	_ =	sdelay $0x3  }
0x33: {  	p0 =	seq.s32 s10, $0x1;
	s10 =	sld [smem:$0x3FB9];
	_ =	sdelay $0x3  }
0x34: {  	[smem:$0x3FB9] =	sst s10  }
0x35: {  	s10 =	sld [smem:$0x3FB8];
	_ =	sdelay $0x3  }
0x36: {  	p1 =	seq.s32 s10, $0x1;
	s10 =	sld [smem:$0x3FB9];
	_ =	sdelay $0x3  }
0x37: {  	[smem:$0x3FB9] =	sst s10  }
0x38: {  	s10 =	sld [smem:$0x3FBA]  }
0x39: {  	_ = 	snop;
	(pc) =	sbr.ind lr, $3  }
0x3a: {  	_ = 	snop  }
0x3b: {  	_ = 	snop  }
0x3c: {  	p2 =	seq.s32 s10, $0x1;
	s10 =	sld [smem:$0x3FB9]  }
0x3d: {  	_ =	shalt  }
0x3e: {  	_ =	shalt  }
0x3f: {  	_ =	shalt  }
0x40: {  	_ =	shalt  }
0x41: {  	_ =	shalt  }
0x42: {  	_ =	shalt  }
0x43: {  	_ =	shalt  }
0x44: {  	_ =	shalt  }
0x45: {  	_ =	shalt  }
0x46: {  	_ =	shalt  }
0x47: {  	_ =	shalt  }
0x48: {  	_ =	shalt  }
0x49: {  	_ =	shalt  }
0x4a: {  	_ =	shalt  }
0x4b: {  	_ =	shalt  }
0x4c: {  	_ =	shalt  }
0x4d: {  	_ =	shalt  }
0x4e: {  	_ =	shalt  }
0x4f: {  	_ =	shalt  }
0x50: {  	_ =	shalt  }
0x51: {  	_ =	shalt  }
0x52: {  	_ =	shalt  }
0x53: {  	_ =	shalt  }
0x54: {  	_ =	shalt  }
0x55: {  	_ =	shalt  }
0x56: {  	_ =	shalt  }
0x57: {  	_ =	shalt  }
0x58: {  	_ =	shalt  }
0x59: {  	_ =	shalt  }
0x5a: {  	_ =	shalt  }
0x5b: {  	_ =	shalt  }
0x5c: {  	_ =	shalt  }
0x5d: {  	_ =	shalt  }
0x5e: {  	_ =	shalt  }
0x5f: {  	_ =	shalt  }
0x60: {  	_ =	shalt  }
0x61: {  	_ =	shalt  }
0x62: {  	_ =	shalt  }
0x63: {  	_ =	shalt  }
0x64: {  	_ =	shalt  }
0x65: {  	_ =	shalt  }
0x66: {  	_ =	shalt  }
0x67: {  	_ =	shalt  }
0x68: {  	_ =	shalt  }
0x69: {  	_ =	shalt  }
0x6a: {  	_ =	shalt  }
0x6b: {  	_ =	shalt  }
0x6c: {  	_ =	shalt  }
0x6d: {  	_ =	shalt  }
0x6e: {  	_ =	shalt  }
0x6f: {  	_ =	shalt  }
0x70: {  	_ =	shalt  }
0x71: {  	_ =	shalt  }
0x72: {  	_ =	shalt  }
0x73: {  	_ =	shalt  }
0x74: {  	_ =	shalt  }
0x75: {  	_ =	shalt  }
0x76: {  	_ =	shalt  }
0x77: {  	_ =	shalt  }
0x78: {  	_ =	shalt  }
0x79: {  	_ =	shalt  }
0x7a: {  	_ =	shalt  }
0x7b: {  	_ =	shalt  }
0x7c: {  	_ =	shalt  }
0x7d: {  	_ =	shalt  }
0x7e: {  	_ =	shalt  }
0x7f: {  	_ =	shalt  }
0x80: {  	_ =	shalt  }
0x81: {  	_ =	shalt  }
0x82: {  	_ =	shalt  }
0x83: {  	_ =	shalt  }
0x84: {  	_ =	shalt  }
0x85: {  	_ =	shalt  }
0x86: {  	_ =	shalt  }
0x87: {  	_ =	shalt  }
.Lfunc_end0:
.L_simem_size_0:
called_computation.4_lowered:
.L_overlay_start_0:
0x88: {  	s2 =	sld [smem:$0x3FD9]  }
0x89: {  	s3 =	sld [smem:$0x3FFE];
	_ =	sdelay $0x1  }
0x8a: {  	s1 =	srdreg.scid  }
0x8b: {  	s0 =	sand.u32 $0x1, s1  }
0x8c: {  	s16 =	sshll.u32 s0, $0xA;
	s2 =	sadd.s32 s3, s2  }
0x8d: {  	s2 =	sadd.s32 s2, s16  }
0x8e: {  	[smem:$0x3FC5] =	sst s2  }
0x8f: {  	_ = 	snop  }
0x90: {  	(tm) =	ssettm $0x1  }
0x91: {  	s17 =	sld [smem:$0x3FFB];
	_ =	sdelay $0x3  }
0x92: {  	_ =	strace s17  }
0x93: {  	s2 =	sld [smem:$0x3FFC];
	_ =	sdelay $0x3  }
0x94: {  	_ =	strace s2  }
0x95: {  	s2 =	sld [smem:$0x3FFD];
	_ =	sdelay $0x3  }
0x96: {  	_ =	strace s2  }
0x97: {  	_ =	strace $0x8FFFFFFF  }
0x98: {  	s18 =	sld [smem:$0x3FDB];
	_ =	sdelay $0x1  }
0x99: {  	s19 =	simm.s32 $_scs_section_size  }
0x9a: {  	s4 =	simm.s32 $_size__tile_overlayer_lowered;
	s5 =	simm.s32 $_tile_overlayer_lowered  }
0x9b: {  	s22 =	simm.s32 $0x1BFF;
	s21 =	sshll.u32 s5, $0x1;
	s2 =	sadd.s32 s19, s18  }
0x9c: {  	s6 =	simm.s32 $0x0;
	s20 =	sshll.u32 s4, $0x1;
	s4 =	sadd.s32 s21, s2  }
0x9d: {  	[timem:s6], [sflag:s22] =	dma.local [hbm:s4], s20  }
0x9e: {  	_ =	swait.ge [sflag:s22], s20  }
0x9f: {  	s3 =	ssub.s32 $0x0, s20;
	[sflag:s22] =	ssyncset.done $0x0  }
0xa0: {  	[sflag:s22] =	ssyncadd.s32 s3;
	_ =	sdelay $0x1  }
0xa1: {  	s23 =	simm.s32 $0x1B8B  }
0xa2: {  	_ =	swait.ge [sflag:s23], $0x1  }
0xa3: {  	[sflag:s23] =	ssyncset.done $0x0  }
0xa4: {  	s25 =	simm.s32 $0x1B8E;
	s24 =	sld [smem:$0x3FFE];
	[sflag:s23] =	ssyncadd.s32 $0xFFFFFFFF  }
0xa5: {  	s26 =	simm.s32 $execute0_lowered;
	[smem:$0x3FD2] =	sst s25  }
0xa6: {  	s4 =	sshll.u32 s26, $0x1;
	_ =	strace $0x80000052;
	[dreg:$0x1] =	wrdreg $0xFFFFFFFF  }
0xa7: {  	s28 =	simm.s32 $_size_execute0_lowered;
	s2 =	sadd.s32 s2, s4;
	[dreg:$0x0] =	wrdreg $0x0  }
0xa8: {  	s4 =	sshll.u32 s28, $0x1;
	[dreg:$0x2] =	wrdreg s2  }
0xa9: {  	[dreg:$0x3] =	wrdreg s4  }
0xaa: {  	[dreg:$0x4] =	wrdreg $0xC0  }
0xab: {  	_ =	task [dreg:s6], $0x5FFFF  }
0xac: {  	[dreg:$0x1] =	wrdreg $0xFFFFFFFF  }
0xad: {  	[dreg:$0x0] =	wrdreg $0x60  }
0xae: {  	[dreg:$0x2] =	wrdreg s24  }
0xaf: {  	[dreg:$0x3] =	wrdreg $0x9  }
0xb0: {  	_ =	task.clear_ibuf [dreg:s6], $0x4FFFF;
	_ =	strace $0x90000052  }
0xb1: {  	s29 =	simm.s32 $0x9;
	_ =	strace $0x80000054  }
0xb2: {  	_ =	swait.ge [sflag:s29], $0x1  }
0xb3: {  	[sflag:s29] =	ssyncadd.s32 $0xFFFFFFFF  }
0xb4: {  	_ =	strace $0x90000054  }
0xb5: {  	_ =	sfence  }
0xb6: {  	s30 =	sld [smem:$0x0];
	_ =	sdelay $0x2  }
0xb7: {  	s31 =	sshll.u32 s1, $0xD;
	s1 =	sshrl.u32 s1, $0x2  }
0xb8: {  	s3 =	sand.u32 $0x4000, s31;
	s1 =	sadd.s32 s1, s30  }
0xb9: {  	s0 =	sor.u32 s3, s0;
	s1 =	sshll.u32 s1, $0x11  }
0xba: {  	s0 =	sor.u32 s1, s0  }
0xbb: {  	s0 =	sadd.s32 $0x8F2B, s0  }
0xbc: {  	[sflag:s0] =	ssyncadd.remote.s32 $0x1  }
0xbd: {  	_ =	sfence.sel $0xFFFF  }
0xbe: {  	[dreg:$0x0] =	wrdreg $0xFFFFFFFF;
	(pc) =	sbr.abs _section_cstart, $3  }
0xbf: {  	[dreg:$0x1] =	wrdreg $0xFFFFFFFF  }
0xc0: {  	_ =	task.clear_ibuf [dreg:s6], $0x2FFFF;
	_ =	strace $0x9FFFFFFF  }
0xc1: {  	(tm) =	ssettm $0x7FFFFFFF  }
tec
execute0_lowered:
.L_overlay_start_1:
0x0: {  	(tag) =	ssettag $0x1  }
0x1: {  	s1 =	rddreg [dreg:$0x0]  }
0x2: {  	s0 =	rddreg [dreg:$0x1];
	s2 =	simm.s32 $0x0  }
0x3: {  	s3 =	srdreg.scid;
	s10 =	simm.s32 $0x3;
	s11 =	simm.s32 $0x10  }
0x4: {  	s12 =	simm.s32 $0x800;
	s13 =	simm.s32 $0x12000;
	s14 =	simm.s32 $0x12800  }
0x5: {  	s15 =	simm.s32 $0x12400;
	s16 =	simm.s32 $0x12C00;
	s17 =	simm.s32 $0x8000  }
0x6: {  	s18 =	simm.s32 $0x1;
	s19 =	simm.s32 $0x2;
	s20 =	simm.s32 $0x0  }
0x7: {  	[smem:$0x7FF] =	sst s2;
	s6 =	sand.u32 $0x1, s3;
	s3 =	stileid.u32  }
0x8: {  	s4 =	sadd.s32 $0x240000, s1;
	s5 =	sadd.s32 $0x270000, s1;
	s7 =	ssub.s32 $0x2, s6  }
0x9: {  	_ =	strace $0x80000053;
	s9 =	sshll.u32 s3, $0x1;
	s8 =	sshrl.u32 s7, $0x1  }
0xa: {  	v2 =	vlaneseq.u32;
	s31 =	sor.u32 s6, s9;
	s6 =	sadd.s32 $0x2A0000, s1;
	s8 =	ssub.s32 s7, s8  }
0xb: {  	v0 =	vimm.f32 $0.0e+00;
	v1 =	vmul.u32 $0x200, v2;
	v2 =	vmul.u32 $0x800, v2;
	s9 =	simm.s32 $0x10000;
	s7 =	smul.u32 $0x30, s31;
	s8 =	smax.u32 s8, $0x1  }
.LBB2_1:
0xc: {  	s21 =	simm.s32 $0x0;
	s22 =	simm.s32 $0x0;
	s23 =	simm.s32 $0x0  }
.LBB2_2:
0xd: {  	s24 =	sand.u32 $0xF, s21  }
0xe: {  	s25 =	sand.u32 $0xFFFE0000, s22;
	s24 =	sshll.u32 s24, $0xD  }
0xf: {  	s24 =	sor.u32 s24, s25  }
0x10: {  	s24 =	sshrl.u32 s24, $0x2  }
0x11: {  	v3 =	vmov s24;
	_ =	sdelay $0x3  }
0x12: {  	s25 =	simm.s32 $0x0;
	s24 =	simm.s32 $0x40  }
.LBB2_3:
0x13: {  	p0 =	sne.s32 s24, $0x1FC0;
	[tilespmem:v3+s25+$0x0 ss:$0x1] =	vst.idx.msk $0xffff, v0;
	s25 =	smov.u32 s24;
	s24 =	sadd.s32 $0x40, s24  }
.Ltmp0:
0x14: {  	(pc) =	sbr.rel @p0 .LBB2_3-.Ltmp0, $2  }
0x15: {  	_ =	sdelay $0x2  }
0x16: {  	s25 =	sshra.s32 s25, $0x2  }
0x17: {  	s23 =	sadd.s32 $0x1, s23  }
0x18: {  	p0 =	sne.s32 s23, $0x20  }
.Ltmp1:
0x19: {  	_ = 	snop;
	(pc) =	sbr.rel @p0 .LBB2_2-.Ltmp1, $2  }
0x1a: {  	_ =	sdelay $0x2  }
0x1b: {  	[tilespmem:v3+s25+$0x0 ss:$0x1] =	vst.idx.msk $0xffff, v0;
	s22 =	sadd.s32 $0x2000, s22;
	s21 =	sadd.s32 $0x1, s21  }
0x1c: {  	s21 =	simm.s32 $0x0  }
.LBB2_6:
0x1d: {  	p0 =	seq.s32 s21, $0x0  }
.Ltmp2:
0x1e: {  	_ = 	snop;
	(pc) =	sbr.rel @p0 .LBB2_10-.Ltmp2, $1  }
0x1f: {  	_ =	sdelay $0x3  }
0x20: {  	_ =	swait.ge [sflag:s18], $0x8000  }
0x21: {  	[sflag:s18] =	ssyncset.done $0x0  }
0x22: {  	s23 =	simm.s32 $0x0;
	s22 =	simm.s32 $0x40;
	[sflag:s18] =	ssyncadd.s32 $0xFFFF8000  }
.LBB2_8:
0x23: {  	p1 =	sne.s32 s22, $0xFC0;
	v3 =	vld [tilespmem:s23+$0x12000];
	_ =	sdelay $0x4  }
0x24: {  	v3 =	vadd.s32 v2, v3  }
.Ltmp3:
0x25: {  	(pc) =	sbr.rel @p1 .LBB2_8-.Ltmp3, $2  }
0x26: {  	_ =	sdelay $0x2  }
0x27: {  	s23 =	sshra.s32 s22, $0x2;
	s22 =	sadd.s32 $0x40, s22;
	[tilespmem:v3+s2+$0x0] =	vst.idx.msk $0xffff, v0  }
0x28: {  	v3 =	vld [tilespmem:s23+$0x12000];
	_ =	sdelay $0x4  }
0x29: {  	v3 =	vadd.s32 v2, v3;
	_ =	sdelay $0x4  }
0x2a: {  	[tilespmem:v3+s2+$0x0] =	vst.idx.msk $0xffff, v0  }
.LBB2_10:
0x2b: {  	s22 =	sshll.u32 s21, $0x1  }
0x2c: {  	s24 =	sadd.s32 s7, s22  }
0x2d: {  	s23 =	sshrl.u32 s24, $0x7;
	s24 =	sshll.u32 s24, $0x4  }
0x2e: {  	s24 =	sand.u32 $0x7E0, s24;
	s26 =	sshll.u32 s23, $0x11  }
0x2f: {  	s25 =	sshll.u32 s24, $0x6;
	s28 =	sadd.s32 s1, s26  }
0x30: {  	s28 =	sadd.s32 s25, s28;
	s25 =	simm.s32 $0x0  }
0x31: {  	[tilespmem:s9], [sflag:$0x3] =	stream.linear.gather [hbm4b:s28+s25], $0x2000, $0x38;
	[tilespmem:$0x13000] =	vst v63  }
0x32: {  	s26 =	sor.u32 s24, s26;
	_ =	swait.ge [sflag:s10], $0x2000  }
0x33: {  	s26 =	sshrl.u32 s26, $0x3;
	[sflag:s10] =	ssyncset.done $0x0  }
0x34: {  	s31 =	sadd.s32 s4, s26;
	[sflag:s10] =	ssyncadd.s32 $0xFFFFE000  }
0x35: {  	[tilespmem:s13], [sflag:$0x3] =	stream.strided.gather [hbm4b:s31+s11], $0x400, s12, s11, $0x38;
	[tilespmem:$0x13000] =	vst v63  }
0x36: {  	_ =	swait.ge [sflag:s10], $0x400  }
0x37: {  	[sflag:s10] =	ssyncset.done $0x0  }
0x38: {  	s26 =	sadd.s32 s5, s26;
	[sflag:s10] =	ssyncadd.s32 $0xFFFFFC00  }
0x39: {  	[tilespmem:s14], [sflag:$0x3] =	stream.strided.gather [hbm4b:s26+s11], $0x400, s12, s11, $0x38;
	[tilespmem:$0x13000] =	vst v63  }
0x3a: {  	_ =	swait.ge [sflag:s10], $0x400  }
0x3b: {  	[sflag:s10] =	ssyncset.done $0x0  }
0x3c: {  	[sflag:s10] =	ssyncadd.s32 $0xFFFFFC00  }
.LBB2_11:
0x3d: {  	s26 =	sshra.s32 s25, $0x2  }
0x3e: {  	v3 =	vld [tilespmem:s26+$0x12000];
	_ =	sdelay $0x4  }
0x3f: {  	v4 =	vshra.s32 v3, $0x2  }
0x40: {  	v4 =	vadd.s32 v1, v4;
	_ =	sdelay $0x4  }
0x41: {  	v4 =	vld.idx.msk [tilespmem:v4+s9+$0x0], $0xffff;
	_ =	sdelay $0x2  }
0x42: {  	v5 =	vshll.u32 v3, $0x3  }
0x43: {  	v5 =	vand.u32 $0x18, v5  }
0x44: {  	v4 =	vshrl.u32 v4, v5  }
0x45: {  	v4 =	vand.u32 $0x1, v4  }
0x46: {  	vm0 =	veq.s32 v4, $0x0  }
0x47: {  	p1 =	sne.s32 s25, $0xFC0;
	v63 =	vld [tilespmem:s26+$0x12800];
	v3 =	vadd.s32 v2, v3  }
.Ltmp4:
0x48: {  	_ = 	snop;
	(pc) =	sbr.rel @p1 .LBB2_11-.Ltmp4, $2  }
0x49: {  	_ =	sdelay $0x2  }
0x4a: {  	s25 =	sadd.s32 $0x40, s25;
	[tilespmem:v3+s2+$0x0] =	vst.idx.add.f32.msk vm0, v63  }
.Ltmp5:
0x4b: {  	(pc) =	sbr.rel @p0 .LBB2_16-.Ltmp5, $4  }
0x4c: {  	s23 =	sshll.u32 s23, $0x13  }
0x4d: {  	s24 =	sshll.u32 s24, $0x8;
	s23 =	sadd.s32 s6, s23  }
0x4e: {  	s23 =	sadd.s32 s24, s23  }
0x4f: {  	[hbm4b:s23+s2] =	stream.linear.scatter [tilespmem:s2], [sflag:$0x1], $0x8000, $0x38;
	[tilespmem:$0x13000] =	vst v63  }
0x50: {  	_ =	swait.ge [sflag:s19], $0x8000  }
0x51: {  	[sflag:s19] =	ssyncset.done $0x0  }
0x52: {  	s24 =	simm.s32 $0x0;
	s23 =	simm.s32 $0x40;
	[sflag:s19] =	ssyncadd.s32 $0xFFFF8000  }
.LBB2_14:
0x53: {  	p0 =	sne.s32 s23, $0xFC0;
	v3 =	vld [tilespmem:s24+$0x12400];
	_ =	sdelay $0x4  }
0x54: {  	v3 =	vadd.s32 v2, v3  }
.Ltmp6:
0x55: {  	(pc) =	sbr.rel @p0 .LBB2_14-.Ltmp6, $2  }
0x56: {  	_ =	sdelay $0x2  }
0x57: {  	s24 =	sshra.s32 s23, $0x2;
	s23 =	sadd.s32 $0x40, s23;
	[tilespmem:v3+s17+$0x0] =	vst.idx.msk $0xffff, v0  }
0x58: {  	v3 =	vld [tilespmem:s24+$0x12400];
	_ =	sdelay $0x4  }
0x59: {  	v3 =	vadd.s32 v2, v3;
	_ =	sdelay $0x4  }
0x5a: {  	[tilespmem:v3+s17+$0x0] =	vst.idx.msk $0xffff, v0  }
.LBB2_16:
0x5b: {  	s22 =	sadd.s32 s22, s7  }
0x5c: {  	s23 =	sadd.s32 $0x1, s22  }
0x5d: {  	s22 =	sshrl.u32 s23, $0x7;
	s23 =	sshll.u32 s23, $0x4  }
0x5e: {  	s23 =	sand.u32 $0x7F0, s23;
	s25 =	sshll.u32 s22, $0x11  }
0x5f: {  	s24 =	sshll.u32 s23, $0x6;
	s26 =	sadd.s32 s1, s25  }
0x60: {  	s26 =	sadd.s32 s24, s26;
	s24 =	simm.s32 $0x0  }
0x61: {  	[tilespmem:s9], [sflag:$0x3] =	stream.linear.gather [hbm4b:s26+s24], $0x2000, $0x38;
	[tilespmem:$0x13000] =	vst v63  }
0x62: {  	s25 =	sor.u32 s23, s25;
	_ =	swait.ge [sflag:s10], $0x2000  }
0x63: {  	s25 =	sshrl.u32 s25, $0x3;
	[sflag:s10] =	ssyncset.done $0x0  }
0x64: {  	s31 =	sadd.s32 s4, s25;
	[sflag:s10] =	ssyncadd.s32 $0xFFFFE000  }
0x65: {  	[tilespmem:s15], [sflag:$0x3] =	stream.strided.gather [hbm4b:s31+s11], $0x400, s12, s11, $0x38;
	[tilespmem:$0x13000] =	vst v63  }
0x66: {  	_ =	swait.ge [sflag:s10], $0x400  }
0x67: {  	[sflag:s10] =	ssyncset.done $0x0  }
0x68: {  	s25 =	sadd.s32 s5, s25;
	[sflag:s10] =	ssyncadd.s32 $0xFFFFFC00  }
0x69: {  	[tilespmem:s16], [sflag:$0x3] =	stream.strided.gather [hbm4b:s25+s11], $0x400, s12, s11, $0x38;
	[tilespmem:$0x13000] =	vst v63  }
0x6a: {  	_ =	swait.ge [sflag:s10], $0x400  }
0x6b: {  	[sflag:s10] =	ssyncset.done $0x0  }
0x6c: {  	[sflag:s10] =	ssyncadd.s32 $0xFFFFFC00  }
.LBB2_17:
0x6d: {  	s25 =	sshra.s32 s24, $0x2  }
0x6e: {  	v3 =	vld [tilespmem:s25+$0x12400];
	_ =	sdelay $0x4  }
0x6f: {  	v4 =	vshra.s32 v3, $0x2  }
0x70: {  	v4 =	vadd.s32 v1, v4;
	_ =	sdelay $0x4  }
0x71: {  	v4 =	vld.idx.msk [tilespmem:v4+s9+$0x0], $0xffff;
	_ =	sdelay $0x2  }
0x72: {  	v5 =	vshll.u32 v3, $0x3  }
0x73: {  	v5 =	vand.u32 $0x18, v5  }
0x74: {  	v4 =	vshrl.u32 v4, v5  }
0x75: {  	v4 =	vand.u32 $0x1, v4  }
0x76: {  	vm0 =	veq.s32 v4, $0x0  }
0x77: {  	p0 =	sne.s32 s24, $0xFC0;
	v63 =	vld [tilespmem:s25+$0x12C00];
	v3 =	vadd.s32 v2, v3  }
.Ltmp7:
0x78: {  	_ = 	snop;
	(pc) =	sbr.rel @p0 .LBB2_17-.Ltmp7, $2  }
0x79: {  	_ =	sdelay $0x2  }
0x7a: {  	s24 =	sadd.s32 $0x40, s24;
	[tilespmem:v3+s17+$0x0] =	vst.idx.add.f32.msk vm0, v63  }
0x7b: {  	s21 =	sadd.s32 $0x1, s21  }
0x7c: {  	p0 =	sne.s32 s21, $0x18  }
.Ltmp8:
0x7d: {  	_ = 	snop;
	(pc) =	sbr.rel @p0 .LBB2_6-.Ltmp8, $4  }
0x7e: {  	s22 =	sshll.u32 s22, $0x13  }
0x7f: {  	s23 =	sshll.u32 s23, $0x8;
	s22 =	sadd.s32 s6, s22  }
0x80: {  	s22 =	sadd.s32 s23, s22  }
0x81: {  	[hbm4b:s22+s2] =	stream.linear.scatter [tilespmem:s17], [sflag:$0x2], $0x8000, $0x38;
	[tilespmem:$0x13000] =	vst v63  }
0x82: {  	s20 =	sadd.s32 $0x1, s20  }
0x83: {  	_ =	swait.ge [sflag:s18], $0x8000;
	p0 =	sne.s32 s20, s8  }
.Ltmp9:
0x84: {  	[sflag:s18] =	ssyncset.done $0x0;
	(pc) =	sbr.rel @p0 .LBB2_1-.Ltmp9, $4  }
0x85: {  	[sflag:s18] =	ssyncadd.s32 $0xFFFF8000  }
0x86: {  	_ =	swait.ge [sflag:s19], $0x8000  }
0x87: {  	[sflag:s19] =	ssyncset.done $0x0  }
0x88: {  	[sflag:s19] =	ssyncadd.s32 $0xFFFF8000  }
0x89: {  	_ =	sfence.sel $0x180000  }
0x8a: {  	[bflag:$0x0] =	sbarrier.arrive $0xFFFF  }
0x8b: {  	p0 =	sne.s32 s3, $0x0;
	_ =	strace $0x90000053  }
0x8c: {  	s0 =	sadd.s32 @!p0 $0x100000, s0;
	[bflag:$0x2] =	sbarrier.arrive $0xFFFF  }
0x8d: {  	[sflag:s0] =	ssyncadd.tile.s32 @!p0 $0x1;
	_ =	shalt  }
.Lfunc_end2:
_tile_overlayer_lowered:
.L_overlay_start_2:
0x8e: {  	(tag) =	ssettag $0x2  }
0x8f: {  	s0 =	rddreg [dreg:$0x0];
	s2 =	stileid.u32  }
0x90: {  	s1 =	rddreg [dreg:$0x1];
	p0 =	sne.s32 s2, $0x0  }
0x91: {  	s3 =	rddreg [dreg:$0x2];
	[bflag:$0x3] =	sbarrier.arrive $0xFFFF;
	s2 =	simm.s32 @!p0 $0x1C03  }
0x92: {  	[timem:s3], [sflag:s2] =	dma.local @!p0 [hbm:s0], s1  }
0x93: {  	s0 =	simm.s32 @!p0 $0x3  }
0x94: {  	_ =	swait.ge @!p0 [sflag:s0], s1  }
0x95: {  	s1 =	ssub.s32 @!p0 $0x0, s1;
	[sflag:s0] =	ssyncset.done @!p0 $0x0  }
0x96: {  	[sflag:s0] =	ssyncadd.s32 @!p0 s1  }
0x97: {  	[bflag:$0x3] =	sbarrier.arrive $0xFFFF  }
0x98: {  	_ =	shalt  }

// kernel: sparse-core-data-format-call.1.cloned.1.call-start
scs
called_computation.1_lowered:
.L_overlay_start_0:
0x0: {  	s1 =	sld [smem:$0x3FD9]  }
0x1: {  	s2 =	sld [smem:$0x3FFE];
	_ =	sdelay $0x1  }
0x2: {  	s3 =	srdreg.scid  }
0x3: {  	s0 =	sand.u32 $0x1, s3  }
0x4: {  	s17 =	sshll.u32 s0, $0xA;
	s1 =	sadd.s32 s2, s1  }
0x5: {  	s1 =	sadd.s32 s1, s17  }
0x6: {  	[smem:$0x3FC5] =	sst s1  }
0x7: {  	_ = 	snop  }
0x8: {  	(tm) =	ssettm $0x1  }
0x9: {  	s18 =	sld [smem:$0x3FFB];
	_ =	sdelay $0x3  }
0xa: {  	_ =	strace s18  }
0xb: {  	s1 =	sld [smem:$0x3FFC];
	_ =	sdelay $0x3  }
0xc: {  	_ =	strace s1  }
0xd: {  	s1 =	sld [smem:$0x3FFD];
	_ =	sdelay $0x3  }
0xe: {  	_ =	strace s1  }
0xf: {  	_ =	strace $0x8FFFFFFF  }
0x10: {  	s19 =	sld [smem:$0x3FDB];
	_ =	sdelay $0x1  }
0x11: {  	s20 =	simm.s32 $_scs_section_size  }
0x12: {  	s4 =	simm.s32 $_size__tile_overlayer_lowered;
	s5 =	simm.s32 $_tile_overlayer_lowered  }
0x13: {  	s23 =	simm.s32 $0x1BFF;
	s22 =	sshll.u32 s5, $0x1;
	s1 =	sadd.s32 s20, s19  }
0x14: {  	s6 =	simm.s32 $0x0;
	s21 =	sshll.u32 s4, $0x1;
	s4 =	sadd.s32 s22, s1  }
0x15: {  	[timem:s6], [sflag:s23] =	dma.local [hbm:s4], s21  }
0x16: {  	_ =	swait.ge [sflag:s23], s21  }
0x17: {  	s2 =	ssub.s32 $0x0, s21;
	[sflag:s23] =	ssyncset.done $0x0  }
0x18: {  	[sflag:s23] =	ssyncadd.s32 s2;
	_ =	sdelay $0x1  }
0x19: {  	s24 =	simm.s32 $0x1B8B  }
0x1a: {  	_ =	swait.ge [sflag:s24], $0x1  }
0x1b: {  	[sflag:s24] =	ssyncset.done $0x0  }
0x1c: {  	s26 =	simm.s32 $0x1B8E;
	s25 =	sld [smem:$0x3FFE];
	[sflag:s24] =	ssyncadd.s32 $0xFFFFFFFF  }
0x1d: {  	s27 =	simm.s32 $execute0_lowered;
	[smem:$0x3FD2] =	sst s26  }
0x1e: {  	s4 =	sshll.u32 s27, $0x1;
	_ =	strace $0x80000049;
	[dreg:$0x1] =	wrdreg $0xFFFFFFFF  }
0x1f: {  	s28 =	simm.s32 $_size_execute0_lowered;
	s1 =	sadd.s32 s1, s4;
	[dreg:$0x0] =	wrdreg $0x0  }
0x20: {  	s4 =	sshll.u32 s28, $0x1;
	[dreg:$0x2] =	wrdreg s1  }
0x21: {  	[dreg:$0x3] =	wrdreg s4  }
0x22: {  	[dreg:$0x4] =	wrdreg $0xC0  }
0x23: {  	_ =	task [dreg:s6], $0x5FFFF  }
0x24: {  	[dreg:$0x1] =	wrdreg $0xFFFFFFFF  }
0x25: {  	[dreg:$0x0] =	wrdreg $0x60  }
0x26: {  	[dreg:$0x2] =	wrdreg s25  }
0x27: {  	[dreg:$0x3] =	wrdreg $0x9  }
0x28: {  	_ =	task.clear_ibuf [dreg:s6], $0x4FFFF;
	_ =	strace $0x90000049  }
0x29: {  	s29 =	simm.s32 $0x9;
	_ =	strace $0x8000004B  }
0x2a: {  	_ =	swait.ge [sflag:s29], $0x1  }
0x2b: {  	[sflag:s29] =	ssyncadd.s32 $0xFFFFFFFF  }
0x2c: {  	_ =	strace $0x9000004B  }
0x2d: {  	_ =	sfence  }
0x2e: {  	s30 =	sld [smem:$0x0];
	_ =	sdelay $0x2  }
0x2f: {  	s31 =	sshll.u32 s3, $0xD;
	s3 =	sshrl.u32 s3, $0x2  }
0x30: {  	s2 =	sand.u32 $0x4000, s31;
	s1 =	sadd.s32 s3, s30  }
0x31: {  	s0 =	sor.u32 s2, s0;
	s1 =	sshll.u32 s1, $0x11  }
0x32: {  	s0 =	sor.u32 s1, s0  }
0x33: {  	s0 =	sadd.s32 $0x8F2B, s0  }
0x34: {  	[sflag:s0] =	ssyncadd.remote.s32 $0x1  }
0x35: {  	_ =	sfence.sel $0xFFFF  }
0x36: {  	[dreg:$0x0] =	wrdreg $0xFFFFFFFF;
	(pc) =	sbr.abs _section_cstart, $3  }
0x37: {  	[dreg:$0x1] =	wrdreg $0xFFFFFFFF  }
0x38: {  	_ =	task.clear_ibuf [dreg:s6], $0x2FFFF;
	_ =	strace $0x9FFFFFFF  }
0x39: {  	(tm) =	ssettm $0x7FFFFFFF  }
tec
execute0_lowered:
.L_overlay_start_1:
0x0: {  	(tag) =	ssettag $0x1  }
0x1: {  	s0 =	stileid.u32;
	s1 =	srdreg.scid  }
0x2: {  	s2 =	sshll.u32 s0, $0x7;
	s3 =	sshll.u32 s0, $0x5;
	s4 =	sshll.u32 s1, $0x9  }
0x3: {  	s1 =	sand.u32 $0x180, s2;
	s29 =	sor.u32 s3, s4  }
0x4: {  	s8 =	simm.s32 $0x2;
	s2 =	sand.u32 $0x380, s29;
	s30 =	ssub.s32 $0x200, s1  }
0x5: {  	s16 =	simm.s32 $0x0;
	s31 =	sand.u32 $0x180, s30;
	s5 =	ssub.s32 $0x800, s2  }
0x6: {  	s4 =	simm.s32 $0x1;
	p0 =	sne.s32 s31, $0x0;
	s6 =	sand.u32 $0x380, s5  }
0x7: {  	s4 =	simm.s32 @!p0 $0x0;
	p0 =	sne.s32 s6, $0x0;
	s6 =	simm.s32 $0x1  }
0x8: {  	s3 =	sshrl.u32 s30, $0x9;
	s5 =	sshrl.u32 s5, $0xA;
	s6 =	simm.s32 @!p0 $0x0  }
0x9: {  	s9 =	simm.s32 $0x1000;
	s3 =	sadd.s32 s4, s3;
	s5 =	sadd.s32 s6, s5  }
0xa: {  	s14 =	simm.s32 $0x0;
	s15 =	simm.s32 $0x0;
	s6 =	smul.u32 s5, s3  }
.Ltmp0:
0xb: {  	s12 =	simm.s32 $0x0;
	s4 =	rddreg [dreg:$0x0];
	(pc) =	sbr.rel .LBB1_1-.Ltmp0, $4  }
0xc: {  	s13 =	simm.s32 $0x0;
	s11 =	smov.u32 s1;
	s3 =	rddreg [dreg:$0x1]  }
0xd: {  	_ =	strace $0x8000004A;
	s5 =	simm.s32 $0x1;
	s6 =	smul.u32 $0xC, s6  }
0xe: {  	s10 =	smov.u32 s2;
	p0 =	por $0x0, $0x0;
	[sflag:s5] =	ssyncpa.u1 $0x0  }
0xf: {  	s7 =	sadd.s32 $0x180000, s4;
	[sflag:s8] =	ssyncpa.u1 $0x0;
	s8 =	sor.u32 $0x1, s6  }
.LBB1_4:
0x10: {  	v5 =	vld [tilespmem:s19+$0xFFFFFFD0];
	[tilespmem:s20+$0x2040 ss:$0x81] =	vst.msk $0xffff, v1  }
0x11: {  	v58 =	vld [tilespmem:s19+$0xFFFFFFE0];
	[tilespmem:s20+$0x2850 ss:$0x81] =	vst.msk $0xffff, v2  }
0x12: {  	s21 =	sshra.s32 s21, $0x2;
	v59 =	vld [tilespmem:s19+$0xFFFFFFF0];
	[tilespmem:s20+$0x3060 ss:$0x81] =	vst.msk $0xffff, v3  }
0x13: {  	v60 =	vld [tilespmem:s19+$0x0];
	[tilespmem:s20+$0x0 ss:$0x81] =	vst.msk $0xffff, v0;
	s18 =	sadd.s32 s21, s18  }
0x14: {  	v61 =	vld [tilespmem:s19+$0x10];
	s25 =	sshll.u32 s16, $0x9;
	[tilespmem:s18+$0x3870 ss:$0x81] =	vst.msk $0xffff, v4  }
0x15: {  	s26 =	sshll.u32 s14, $0x3;
	v62 =	vld [tilespmem:s19+$0x20];
	s27 =	sshll.u32 s16, $0x7;
	s30 =	sand.u32 $0x78, s14;
	[tilespmem:s18+$0x810 ss:$0x81] =	vst.msk $0xffff, v5  }
0x16: {  	v63 =	vld [tilespmem:s19+$0xFFFFFFC0];
	s15 =	sshll.u32 s15, $0x11;
	s20 =	sand.u32 $0xFF000, s25;
	s21 =	sand.u32 $0xFFC00, s26;
	[tilespmem:s18+$0x1020 ss:$0x81] =	vst.msk $0xffff, v58  }
0x17: {  	s29 =	sand.u32 $0x200, s27;
	s16 =	sand.u32 $0x180, s27;
	s28 =	sadd.s32 s21, s20;
	[tilespmem:s18+$0x1830 ss:$0x81] =	vst.msk $0xffff, v59  }
0x18: {  	s31 =	sand.u32 $0x7, s14;
	s16 =	sor.u32 s30, s16;
	s19 =	sor.u32 s29, s28;
	[tilespmem:s18+$0x2040 ss:$0x81] =	vst.msk $0xffff, v60  }
0x19: {  	s15 =	sadd.s32 s7, s15;
	s16 =	sshrl.u32 s16, $0x3;
	s19 =	sshrl.u32 s19, $0x3;
	[tilespmem:s18+$0x2850 ss:$0x81] =	vst.msk $0xffff, v61  }
0x1a: {  	s14 =	sshll.u32 s31, $0x12;
	s15 =	sadd.s32 s16, s15;
	[tilespmem:s18+$0x3060 ss:$0x81] =	vst.msk $0xffff, v62;
	s19 =	sand.u32 $0x1FFC0, s19  }
0x1b: {  	s14 =	sor.u32 $0x400, s14;
	[tilespmem:s18+$0x0 ss:$0x81] =	vst.msk $0xffff, v63;
	s15 =	sadd.s32 s19, s15  }
0x1c: {  	[hbm4b:s15+s14] =	stream.strided.scatter [tilespmem:s17], [sflag:$0x2], $0x4000, s9, s14, $0x20;
	[tilespmem:$0x10100] =	vst v63  }
.LBB1_5:
0x1d: {  	s17 =	sadd.s32 $0x400, s10  }
0x1e: {  	s14 =	sadd.s32 $0x200, s11;
	s18 =	smov.u32 s11;
	p2 =	sgt.s32 s17, $0x7FF  }
0x1f: {  	s18 =	smov.u32 @p2 s14  }
0x20: {  	s14 =	simm.s32 $0x1;
	p3 =	sgt.s32 s18, $0x1FF  }
0x21: {  	s14 =	simm.s32 @!p3 $0x0  }
0x22: {  	s20 =	sadd.s32 s14, s12  }
0x23: {  	s17 =	smov.u32 @p2 s2;
	p2 =	sgt.s32 s20, $0xB  }
0x24: {  	p1 =	slt.u32 s13, $0x2;
	s20 =	simm.s32 @p2 $0x0;
	p2 =	sne.s32 s13, s8  }
.Ltmp1:
0x25: {  	s19 =	simm.s32 @!p1 $0x2;
	(pc) =	sbr.rel @!p2 .LBB1_6-.Ltmp1, $4  }
0x26: {  	s16 =	smov.u32 s10;
	s15 =	smov.u32 s12;
	_ =	swait.ge @!p1 [sflag:s19], $0x4000  }
0x27: {  	p0 =	por !p0, !p0;
	[sflag:s19] =	ssyncset.done @!p1 $0x0;
	s10 =	smov.u32 s17  }
0x28: {  	s18 =	smov.u32 @p3 s1;
	[sflag:s19] =	ssyncadd.s32 @!p1 $0xFFFFC000;
	s14 =	smov.u32 s11  }
0x29: {  	s11 =	smov.u32 s18;
	s13 =	sadd.s32 $0x1, s13;
	s12 =	smov.u32 s20  }
.LBB1_1:
0x2a: {  	p1 =	sge.u32 s13, s6;
	s31 =	sadd.s32 $0xFFFFFFFF, s13  }
0x2b: {  	s17 =	sxor.u32 @!p1 $0xFFFFFFFF, s13;
	s18 =	sand.u32 @!p1 $0x78, s10;
	s19 =	sshll.u32 @!p1 s11, $0xB  }
0x2c: {  	s20 =	sshll.u32 @!p1 s11, $0x7;
	s21 =	sshll.u32 @!p1 s10, $0x3;
	s17 =	sshll.u32 @!p1 s17, $0xE  }
0x2d: {  	s19 =	sand.u32 @!p1 $0xFC000, s19;
	s20 =	sand.u32 @!p1 $0x380, s20;
	s17 =	sand.u32 @!p1 $0x4000, s17  }
0x2e: {  	s19 =	sadd.s32 @!p1 s19, s21;
	s21 =	sand.u32 @!p1 $0x400, s21;
	s18 =	sor.u32 @!p1 s20, s18  }
0x2f: {  	s20 =	sshll.u32 @!p1 s12, $0x11;
	s18 =	sor.u32 @!p1 s21, s18;
	s19 =	sshrl.u32 @!p1 s19, $0x3  }
0x30: {  	s20 =	sadd.s32 @!p1 s4, s20;
	s21 =	sand.u32 @!p1 $0x7, s10;
	s19 =	sand.u32 @!p1 $0x1FF00, s19  }
0x31: {  	s18 =	sshrl.u32 @!p1 s18, $0x3;
	s19 =	sadd.s32 @!p1 s19, s20;
	s20 =	sshll.u32 @!p1 s21, $0x12  }
0x32: {  	s18 =	sadd.s32 @!p1 s18, s19;
	s19 =	sor.u32 @!p1 $0x400, s20;
	s20 =	simm.s32 @!p1 $0x4000  }
0x33: {  	[tilespmem:s17], [sflag:$0x1] =	stream.strided.gather @!p1 [hbm4b:s18+s19], $0x4000, s20, s19, $0x38;
	[tilespmem:$0x10100] =	vst v63  }
0x34: {  	p1 =	sge.u32 s31, s6  }
.Ltmp2:
0x35: {  	_ = 	snop;
	(pc) =	sbr.rel @p1 .LBB1_5-.Ltmp2, $1  }
0x36: {  	_ =	sdelay $0x3  }
0x37: {  	s17 =	simm.s32 $0x1  }
0x38: {  	_ =	swait.ge [sflag:s5], $0x4000;
	s17 =	simm.s32 @!p0 $0x0  }
0x39: {  	[sflag:s5] =	ssyncset.done $0x0;
	s18 =	sshll.u32 s17, $0xE  }
0x3a: {  	[sflag:s5] =	ssyncadd.s32 $0xFFFFC000;
	s19 =	sor.u32 $0x40, s18  }
0x3b: {  	s17 =	smul.u32 $0x10200, s17;
	v0 =	vld [tilespmem:s19+$0x30]  }
0x3c: {  	v3 =	vld [tilespmem:s19+$0xFFFFFFD0]  }
0x3d: {  	s17 =	sshrl.u32 s17, $0x2;
	v4 =	vld [tilespmem:s19+$0xFFFFFFE0]  }
0x3e: {  	v5 =	vld [tilespmem:s19+$0xFFFFFFF0];
	s18 =	sor.u32 $0x8000, s17  }
0x3f: {  	s31 =	sand.u32 $0x1, s13;
	v1 =	vld [tilespmem:s19+$0x0];
	s20 =	sadd.s32 $0x0, s18  }
0x40: {  	v2 =	vld [tilespmem:s19+$0x10];
	s17 =	smul.u32 $0x10200, s31;
	[tilespmem:s20+$0x3870 ss:$0x81] =	vst.msk $0xffff, v0  }
0x41: {  	[tilespmem:s20+$0x810 ss:$0x81] =	vst.msk $0xffff, v3;
	v3 =	vld [tilespmem:s19+$0x20]  }
0x42: {  	s17 =	sshrl.u32 s17, $0x2;
	v0 =	vld [tilespmem:s19+$0xFFFFFFC0];
	[tilespmem:s20+$0x1020 ss:$0x81] =	vst.msk $0xffff, v4;
	s19 =	sadd.s32 $0x80, s19  }
0x43: {  	s21 =	simm.s32 $0x4;
	s22 =	simm.s32 $0x8;
	s17 =	sor.u32 $0x8000, s17;
	[tilespmem:s20+$0x1830 ss:$0x81] =	vst.msk $0xffff, v5;
	v4 =	vld [tilespmem:s19+$0x30]  }
.LBB1_3:
0x44: {  	p1 =	sne.s32 s22, $0x1FC;
	v5 =	vld [tilespmem:s19+$0xFFFFFFD0];
	[tilespmem:s20+$0x2040 ss:$0x81] =	vst.msk $0xffff, v1  }
0x45: {  	v6 =	vld [tilespmem:s19+$0xFFFFFFE0];
	[tilespmem:s20+$0x2850 ss:$0x81] =	vst.msk $0xffff, v2  }
0x46: {  	s23 =	sshra.s32 s21, $0x2;
	s21 =	smov.u32 s22;
	v7 =	vld [tilespmem:s19+$0xFFFFFFF0];
	[tilespmem:s20+$0x3060 ss:$0x81] =	vst.msk $0xffff, v3  }
.Ltmp3:
0x47: {  	v1 =	vld [tilespmem:s19+$0x0];
	[tilespmem:s20+$0x0 ss:$0x81] =	vst.msk $0xffff, v0;
	s20 =	sadd.s32 s23, s18;
	(pc) =	sbr.rel @p1 .LBB1_3-.Ltmp3, $4  }
0x48: {  	v2 =	vld [tilespmem:s19+$0x10];
	[tilespmem:s20+$0x3870 ss:$0x81] =	vst.msk $0xffff, v4  }
0x49: {  	[tilespmem:s20+$0x810 ss:$0x81] =	vst.msk $0xffff, v5;
	v3 =	vld [tilespmem:s19+$0x20]  }
0x4a: {  	v0 =	vld [tilespmem:s19+$0xFFFFFFC0];
	[tilespmem:s20+$0x1020 ss:$0x81] =	vst.msk $0xffff, v6;
	s19 =	sadd.s32 $0x80, s19  }
0x4b: {  	s22 =	sadd.s32 $0x4, s22;
	v4 =	vld [tilespmem:s19+$0x30];
	[tilespmem:s20+$0x1830 ss:$0x81] =	vst.msk $0xffff, v7  }
.Ltmp4:
0x4c: {  	_ = 	snop;
	(pc) =	sbr.rel .LBB1_4-.Ltmp4, $1  }
0x4d: {  	_ =	sdelay $0x3  }
.LBB1_6:
0x4e: {  	_ =	sfence.sel $0x180000  }
0x4f: {  	s1 =	simm.s32 $0x1;
	[bflag:$0x0] =	sbarrier.arrive $0xFFFF  }
0x50: {  	s31 =	simm.s32 $0x2;
	[sflag:s1] =	ssyncpa.u1 $0x1  }
0x51: {  	[sflag:s31] =	ssyncpa.u1 $0x1  }
0x52: {  	p0 =	sne.s32 s0, $0x0;
	_ =	strace $0x9000004A  }
0x53: {  	s0 =	sadd.s32 @!p0 $0x100000, s3;
	[bflag:$0x2] =	sbarrier.arrive $0xFFFF  }
0x54: {  	[sflag:s0] =	ssyncadd.tile.s32 @!p0 $0x1;
	_ =	shalt  }
.Lfunc_end1:
_tile_overlayer_lowered:
.L_overlay_start_2:
0x55: {  	(tag) =	ssettag $0x2  }
0x56: {  	s0 =	rddreg [dreg:$0x0];
	s2 =	stileid.u32  }
0x57: {  	s1 =	rddreg [dreg:$0x1];
	p0 =	sne.s32 s2, $0x0  }
0x58: {  	s3 =	rddreg [dreg:$0x2];
	[bflag:$0x3] =	sbarrier.arrive $0xFFFF;
	s2 =	simm.s32 @!p0 $0x1C01  }
0x59: {  	[timem:s3], [sflag:s2] =	dma.local @!p0 [hbm:s0], s1  }
0x5a: {  	s0 =	simm.s32 @!p0 $0x1  }
0x5b: {  	_ =	swait.ge @!p0 [sflag:s0], s1  }
0x5c: {  	s1 =	ssub.s32 @!p0 $0x0, s1;
	[sflag:s0] =	ssyncset.done @!p0 $0x0  }
0x5d: {  	[sflag:s0] =	ssyncadd.s32 @!p0 s1  }
0x5e: {  	[bflag:$0x3] =	sbarrier.arrive $0xFFFF  }
0x5f: {  	_ =	shalt  }

// kernel: sparse-core-data-format-call.2.cloned.1.call-start
scs
called_computation.2_lowered:
.L_overlay_start_0:
0x0: {  	s2 =	sld [smem:$0x3FD9]  }
0x1: {  	s3 =	sld [smem:$0x3FFE];
	_ =	sdelay $0x1  }
0x2: {  	s1 =	srdreg.scid  }
0x3: {  	s0 =	sand.u32 $0x1, s1  }
0x4: {  	s18 =	sshll.u32 s0, $0xA;
	s2 =	sadd.s32 s3, s2  }
0x5: {  	s2 =	sadd.s32 s2, s18  }
0x6: {  	[smem:$0x3FC5] =	sst s2  }
0x7: {  	_ = 	snop  }
0x8: {  	s2 =	sld [smem:$0x3FD0];
	(tm) =	ssettm $0x1  }
0x9: {  	s19 =	sld [smem:$0x3FFB];
	_ =	sdelay $0x3  }
0xa: {  	_ =	strace s19  }
0xb: {  	s3 =	sld [smem:$0x3FFC];
	_ =	sdelay $0x3  }
0xc: {  	_ =	strace s3  }
0xd: {  	s3 =	sld [smem:$0x3FFD];
	_ =	sdelay $0x3  }
0xe: {  	_ =	strace s3  }
0xf: {  	_ =	strace $0x8FFFFFFF  }
0x10: {  	s20 =	sld [smem:$0x3FDB];
	_ =	sdelay $0x1  }
0x11: {  	s4 =	simm.s32 $_scs_section_size  }
0x12: {  	s5 =	simm.s32 $_size__tile_overlayer_lowered;
	s6 =	simm.s32 $_tile_overlayer_lowered  }
0x13: {  	s23 =	simm.s32 $0x1BFF;
	s22 =	sshll.u32 s6, $0x1;
	s3 =	sadd.s32 s4, s20  }
0x14: {  	s7 =	simm.s32 $0x0;
	s21 =	sshll.u32 s5, $0x1;
	s5 =	sadd.s32 s22, s3  }
0x15: {  	[timem:s7], [sflag:s23] =	dma.local [hbm:s5], s21  }
0x16: {  	_ =	swait.ge [sflag:s23], s21  }
0x17: {  	s4 =	ssub.s32 $0x0, s21;
	[sflag:s23] =	ssyncset.done $0x0  }
0x18: {  	[sflag:s23] =	ssyncadd.s32 s4;
	_ =	sdelay $0x1  }
0x19: {  	s24 =	simm.s32 $0x1B8B  }
0x1a: {  	_ =	swait.ge [sflag:s24], $0x1  }
0x1b: {  	[sflag:s24] =	ssyncset.done $0x0  }
0x1c: {  	s26 =	simm.s32 $0x1B8E;
	s25 =	sld [smem:$0x3FFE];
	[sflag:s24] =	ssyncadd.s32 $0xFFFFFFFF  }
0x1d: {  	s27 =	simm.s32 $execute0_lowered;
	[smem:$0x3FD2] =	sst s26  }
0x1e: {  	s5 =	sshll.u32 s27, $0x1;
	_ =	strace $0x80000046;
	[dreg:$0x1] =	wrdreg $0xFFFFFFFF  }
0x1f: {  	s28 =	simm.s32 $_size_execute0_lowered;
	s3 =	sadd.s32 s3, s5;
	[dreg:$0x0] =	wrdreg $0x0  }
0x20: {  	s5 =	sshll.u32 s28, $0x1;
	[dreg:$0x2] =	wrdreg s3  }
0x21: {  	[dreg:$0x3] =	wrdreg s5  }
0x22: {  	[dreg:$0x4] =	wrdreg $0xC0  }
0x23: {  	_ =	task [dreg:s7], $0x5FFFF  }
0x24: {  	[dreg:$0x1] =	wrdreg $0xFFFFFFFF  }
0x25: {  	[dreg:$0x0] =	wrdreg $0x60  }
0x26: {  	[dreg:$0x2] =	wrdreg s2  }
0x27: {  	[dreg:$0x3] =	wrdreg s25  }
0x28: {  	[dreg:$0x4] =	wrdreg $0x9  }
0x29: {  	_ =	task.clear_ibuf [dreg:s7], $0x5FFFF;
	_ =	strace $0x90000046  }
0x2a: {  	s29 =	simm.s32 $0x9;
	_ =	strace $0x80000048  }
0x2b: {  	_ =	swait.ge [sflag:s29], $0x1  }
0x2c: {  	[sflag:s29] =	ssyncadd.s32 $0xFFFFFFFF  }
0x2d: {  	_ =	strace $0x90000048  }
0x2e: {  	_ =	sfence  }
0x2f: {  	s30 =	sld [smem:$0x0];
	_ =	sdelay $0x2  }
0x30: {  	s31 =	sshll.u32 s1, $0xD;
	s1 =	sshrl.u32 s1, $0x2  }
0x31: {  	s3 =	sand.u32 $0x4000, s31;
	s1 =	sadd.s32 s1, s30  }
0x32: {  	s0 =	sor.u32 s3, s0;
	s1 =	sshll.u32 s1, $0x11  }
0x33: {  	s0 =	sor.u32 s1, s0  }
0x34: {  	s0 =	sadd.s32 $0x8F2B, s0  }
0x35: {  	[sflag:s0] =	ssyncadd.remote.s32 $0x1  }
0x36: {  	_ =	sfence.sel $0xFFFF  }
0x37: {  	[dreg:$0x0] =	wrdreg $0xFFFFFFFF;
	(pc) =	sbr.abs _section_cstart, $3  }
0x38: {  	[dreg:$0x1] =	wrdreg $0xFFFFFFFF  }
0x39: {  	_ =	task.clear_ibuf [dreg:s7], $0x2FFFF;
	_ =	strace $0x9FFFFFFF  }
0x3a: {  	(tm) =	ssettm $0x7FFFFFFF  }
0x3b: {  	_ =	shalt  }
tec
execute0_lowered:
.L_overlay_start_1:
0x0: {  	(tag) =	ssettag $0x1  }
0x1: {  	s0 =	stileid.u32;
	s2 =	srdreg.scid  }
0x2: {  	s8 =	simm.s32 $0x2;
	s1 =	sshll.u32 s0, $0x7;
	s2 =	sshll.u32 s2, $0x7  }
0x3: {  	s16 =	simm.s32 $0x0;
	s2 =	sand.u32 $0x80, s2;
	s3 =	ssub.s32 $0x800, s1  }
0x4: {  	s5 =	sshrl.u32 s3, $0xB;
	s3 =	sand.u32 $0x780, s3;
	s4 =	ssub.s32 $0x800, s2  }
0x5: {  	p0 =	sne.s32 s3, $0x0;
	s3 =	simm.s32 $0x1;
	s6 =	sshrl.u32 s4, $0x7  }
0x6: {  	s7 =	sshrl.u32 s4, $0x8;
	s3 =	simm.s32 @!p0 $0x0;
	s6 =	sand.u32 $0x1, s6  }
0x7: {  	s9 =	simm.s32 $0x4000;
	s3 =	sadd.s32 s3, s5;
	s6 =	sadd.s32 s7, s6  }
0x8: {  	s14 =	simm.s32 $0x0;
	s4 =	rddreg [dreg:$0x0];
	s7 =	smul.u32 s6, s3  }
.Ltmp0:
0x9: {  	s15 =	simm.s32 $0x0;
	s5 =	rddreg [dreg:$0x1];
	(pc) =	sbr.rel .LBB1_1-.Ltmp0, $4  }
0xa: {  	s12 =	simm.s32 $0x0;
	s13 =	simm.s32 $0x0;
	s3 =	rddreg [dreg:$0x2]  }
0xb: {  	_ =	strace $0x80000047;
	s6 =	simm.s32 $0x1;
	s7 =	smul.u32 $0xC, s7  }
0xc: {  	s11 =	smov.u32 s1;
	s10 =	smov.u32 s2;
	[sflag:s6] =	ssyncpa.u1 $0x0  }
0xd: {  	p0 =	por $0x0, $0x0;
	[sflag:s8] =	ssyncpa.u1 $0x0;
	s8 =	sor.u32 $0x1, s7  }
.LBB1_4:
0xe: {  	v5 =	vld [tilespmem:s19+$0xFFFFFFD0]  }
0xf: {  	[tilespmem:s20+$0x2040 ss:$0x81] =	vst.msk $0xffff, v1;
	v58 =	vld [tilespmem:s19+$0xFFFFFFE0]  }
0x10: {  	[tilespmem:s20+$0x2850 ss:$0x81] =	vst.msk $0xffff, v2;
	v59 =	vld [tilespmem:s19+$0xFFFFFFF0]  }
0x11: {  	s21 =	sshra.s32 s21, $0x2;
	[tilespmem:s20+$0x3060 ss:$0x81] =	vst.msk $0xffff, v3;
	v60 =	vld [tilespmem:s19+$0x0]  }
0x12: {  	[tilespmem:s20+$0x0 ss:$0x81] =	vst.msk $0xffff, v0;
	v61 =	vld [tilespmem:s19+$0x10];
	s18 =	sadd.s32 s21, s18  }
0x13: {  	s26 =	sshll.u32 s16, $0xB;
	v62 =	vld [tilespmem:s19+$0x20];
	[tilespmem:s18+$0x3870 ss:$0x81] =	vst.msk $0xffff, v4  }
0x14: {  	s27 =	sand.u32 $0x78, s14;
	s22 =	sshll.u32 s14, $0x3;
	v63 =	vld [tilespmem:s19+$0xFFFFFFC0];
	s29 =	sshll.u32 s16, $0x7;
	[tilespmem:s18+$0x810 ss:$0x81] =	vst.msk $0xffff, v5  }
0x15: {  	s15 =	sshll.u32 s15, $0x13;
	s20 =	sand.u32 $0x3FC000, s26;
	s28 =	sand.u32 $0x3FFC00, s22;
	[tilespmem:s18+$0x1020 ss:$0x81] =	vst.msk $0xffff, v58  }
0x16: {  	s31 =	sand.u32 $0x7, s14;
	s22 =	sand.u32 $0x400, s22;
	s19 =	sadd.s32 s28, s20;
	[tilespmem:s18+$0x1830 ss:$0x81] =	vst.msk $0xffff, v59  }
0x17: {  	s16 =	sand.u32 $0x380, s29;
	s30 =	sor.u32 s27, s22;
	s19 =	sshrl.u32 s19, $0x3;
	[tilespmem:s18+$0x2040 ss:$0x81] =	vst.msk $0xffff, v60  }
0x18: {  	s15 =	sadd.s32 s5, s15;
	s16 =	sor.u32 s16, s30;
	s19 =	sand.u32 $0x7FF00, s19;
	[tilespmem:s18+$0x2850 ss:$0x81] =	vst.msk $0xffff, v61  }
0x19: {  	s14 =	sshll.u32 s31, $0x12;
	s16 =	sshrl.u32 s16, $0x3;
	[tilespmem:s18+$0x3060 ss:$0x81] =	vst.msk $0xffff, v62;
	s15 =	sadd.s32 s19, s15  }
0x1a: {  	s14 =	sor.u32 $0x400, s14;
	[tilespmem:s18+$0x0 ss:$0x81] =	vst.msk $0xffff, v63;
	s15 =	sadd.s32 s16, s15  }
0x1b: {  	[hbm4b:s15+s14] =	stream.strided.scatter [tilespmem:s17], [sflag:$0x2], $0x4000, s9, s14, $0x20;
	[tilespmem:$0x10100] =	vst v63  }
.LBB1_5:
0x1c: {  	s17 =	sadd.s32 $0x100, s10  }
0x1d: {  	s14 =	sadd.s32 $0x800, s11;
	s18 =	smov.u32 s11;
	p2 =	sgt.s32 s17, $0x7FF  }
0x1e: {  	s18 =	smov.u32 @p2 s14  }
0x1f: {  	s14 =	simm.s32 $0x1;
	p3 =	sgt.s32 s18, $0x7FF  }
0x20: {  	s14 =	simm.s32 @!p3 $0x0  }
0x21: {  	s20 =	sadd.s32 s14, s12  }
0x22: {  	s17 =	smov.u32 @p2 s2;
	p2 =	sgt.s32 s20, $0xB  }
0x23: {  	p1 =	slt.u32 s13, $0x2;
	s20 =	simm.s32 @p2 $0x0;
	p2 =	sne.s32 s13, s8  }
.Ltmp1:
0x24: {  	s19 =	simm.s32 @!p1 $0x2;
	(pc) =	sbr.rel @!p2 .LBB1_6-.Ltmp1, $4  }
0x25: {  	s16 =	smov.u32 s10;
	s15 =	smov.u32 s12;
	_ =	swait.ge @!p1 [sflag:s19], $0x4000  }
0x26: {  	p0 =	por !p0, !p0;
	[sflag:s19] =	ssyncset.done @!p1 $0x0;
	s10 =	smov.u32 s17  }
0x27: {  	s18 =	smov.u32 @p3 s1;
	[sflag:s19] =	ssyncadd.s32 @!p1 $0xFFFFC000;
	s14 =	smov.u32 s11  }
0x28: {  	s11 =	smov.u32 s18;
	s13 =	sadd.s32 $0x1, s13;
	s12 =	smov.u32 s20  }
.LBB1_1:
0x29: {  	p1 =	sge.u32 s13, s7;
	s31 =	sadd.s32 $0xFFFFFFFF, s13  }
0x2a: {  	s17 =	sxor.u32 @!p1 $0xFFFFFFFF, s13;
	s18 =	sand.u32 @!p1 $0x78, s10;
	s19 =	sshll.u32 @!p1 s11, $0xB  }
0x2b: {  	s20 =	sshll.u32 @!p1 s11, $0x7;
	s21 =	sshll.u32 @!p1 s10, $0x3;
	s17 =	sshll.u32 @!p1 s17, $0xE  }
0x2c: {  	s19 =	sand.u32 @!p1 $0x3FC000, s19;
	s20 =	sand.u32 @!p1 $0x380, s20;
	s17 =	sand.u32 @!p1 $0x4000, s17  }
0x2d: {  	s19 =	sadd.s32 @!p1 s19, s21;
	s21 =	sand.u32 @!p1 $0x400, s21;
	s18 =	sor.u32 @!p1 s20, s18  }
0x2e: {  	s20 =	sshll.u32 @!p1 s12, $0x13;
	s18 =	sor.u32 @!p1 s21, s18;
	s19 =	sshrl.u32 @!p1 s19, $0x3  }
0x2f: {  	s20 =	sadd.s32 @!p1 s4, s20;
	s21 =	sand.u32 @!p1 $0x7, s10;
	s19 =	sand.u32 @!p1 $0x7FF00, s19  }
0x30: {  	s18 =	sshrl.u32 @!p1 s18, $0x3;
	s19 =	sadd.s32 @!p1 s19, s20;
	s20 =	sshll.u32 @!p1 s21, $0x12  }
0x31: {  	s18 =	sadd.s32 @!p1 s18, s19;
	s19 =	sor.u32 @!p1 $0x400, s20;
	s20 =	simm.s32 @!p1 $0x4000  }
0x32: {  	[tilespmem:s17], [sflag:$0x1] =	stream.strided.gather @!p1 [hbm4b:s18+s19], $0x4000, s20, s19, $0x38;
	[tilespmem:$0x10100] =	vst v63  }
0x33: {  	p1 =	sge.u32 s31, s7  }
.Ltmp2:
0x34: {  	_ = 	snop;
	(pc) =	sbr.rel @p1 .LBB1_5-.Ltmp2, $1  }
0x35: {  	_ =	sdelay $0x3  }
0x36: {  	s17 =	simm.s32 $0x1  }
0x37: {  	_ =	swait.ge [sflag:s6], $0x4000;
	s17 =	simm.s32 @!p0 $0x0  }
0x38: {  	[sflag:s6] =	ssyncset.done $0x0;
	s18 =	sshll.u32 s17, $0xE  }
0x39: {  	[sflag:s6] =	ssyncadd.s32 $0xFFFFC000;
	s19 =	sor.u32 $0x40, s18  }
0x3a: {  	s17 =	smul.u32 $0x10200, s17;
	v0 =	vld [tilespmem:s19+$0x30]  }
0x3b: {  	v3 =	vld [tilespmem:s19+$0xFFFFFFD0]  }
0x3c: {  	s17 =	sshrl.u32 s17, $0x2;
	v4 =	vld [tilespmem:s19+$0xFFFFFFE0]  }
0x3d: {  	v5 =	vld [tilespmem:s19+$0xFFFFFFF0];
	s18 =	sor.u32 $0x8000, s17  }
0x3e: {  	s31 =	sand.u32 $0x1, s13;
	v1 =	vld [tilespmem:s19+$0x0];
	s20 =	sadd.s32 $0x0, s18  }
0x3f: {  	v2 =	vld [tilespmem:s19+$0x10];
	s17 =	smul.u32 $0x10200, s31;
	[tilespmem:s20+$0x3870 ss:$0x81] =	vst.msk $0xffff, v0  }
0x40: {  	[tilespmem:s20+$0x810 ss:$0x81] =	vst.msk $0xffff, v3;
	v3 =	vld [tilespmem:s19+$0x20]  }
0x41: {  	s17 =	sshrl.u32 s17, $0x2;
	v0 =	vld [tilespmem:s19+$0xFFFFFFC0];
	[tilespmem:s20+$0x1020 ss:$0x81] =	vst.msk $0xffff, v4;
	s19 =	sadd.s32 $0x80, s19  }
0x42: {  	s21 =	simm.s32 $0x4;
	s22 =	simm.s32 $0x8;
	s17 =	sor.u32 $0x8000, s17;
	[tilespmem:s20+$0x1830 ss:$0x81] =	vst.msk $0xffff, v5;
	v4 =	vld [tilespmem:s19+$0x30]  }
.LBB1_3:
0x43: {  	p1 =	sne.s32 s22, $0x1FC;
	v5 =	vld [tilespmem:s19+$0xFFFFFFD0];
	[tilespmem:s20+$0x2040 ss:$0x81] =	vst.msk $0xffff, v1  }
0x44: {  	v6 =	vld [tilespmem:s19+$0xFFFFFFE0];
	[tilespmem:s20+$0x2850 ss:$0x81] =	vst.msk $0xffff, v2  }
0x45: {  	s23 =	sshra.s32 s21, $0x2;
	s21 =	smov.u32 s22;
	v7 =	vld [tilespmem:s19+$0xFFFFFFF0];
	[tilespmem:s20+$0x3060 ss:$0x81] =	vst.msk $0xffff, v3  }
.Ltmp3:
0x46: {  	v1 =	vld [tilespmem:s19+$0x0];
	[tilespmem:s20+$0x0 ss:$0x81] =	vst.msk $0xffff, v0;
	s20 =	sadd.s32 s23, s18;
	(pc) =	sbr.rel @p1 .LBB1_3-.Ltmp3, $4  }
0x47: {  	v2 =	vld [tilespmem:s19+$0x10];
	[tilespmem:s20+$0x3870 ss:$0x81] =	vst.msk $0xffff, v4  }
0x48: {  	[tilespmem:s20+$0x810 ss:$0x81] =	vst.msk $0xffff, v5;
	v3 =	vld [tilespmem:s19+$0x20]  }
0x49: {  	v0 =	vld [tilespmem:s19+$0xFFFFFFC0];
	[tilespmem:s20+$0x1020 ss:$0x81] =	vst.msk $0xffff, v6;
	s19 =	sadd.s32 $0x80, s19  }
0x4a: {  	s22 =	sadd.s32 $0x4, s22;
	v4 =	vld [tilespmem:s19+$0x30];
	[tilespmem:s20+$0x1830 ss:$0x81] =	vst.msk $0xffff, v7  }
.Ltmp4:
0x4b: {  	_ = 	snop;
	(pc) =	sbr.rel .LBB1_4-.Ltmp4, $1  }
0x4c: {  	_ =	sdelay $0x3  }
.LBB1_6:
0x4d: {  	_ =	sfence.sel $0x180000  }
0x4e: {  	s1 =	simm.s32 $0x1;
	[bflag:$0x0] =	sbarrier.arrive $0xFFFF  }
0x4f: {  	s31 =	simm.s32 $0x2;
	[sflag:s1] =	ssyncpa.u1 $0x1  }
0x50: {  	[sflag:s31] =	ssyncpa.u1 $0x1  }
0x51: {  	p0 =	sne.s32 s0, $0x0;
	_ =	strace $0x90000047  }
0x52: {  	s0 =	sadd.s32 @!p0 $0x100000, s3;
	[bflag:$0x2] =	sbarrier.arrive $0xFFFF  }
0x53: {  	[sflag:s0] =	ssyncadd.tile.s32 @!p0 $0x1;
	_ =	shalt  }
.Lfunc_end1:
_tile_overlayer_lowered:
.L_overlay_start_2:
0x54: {  	(tag) =	ssettag $0x2  }
0x55: {  	s0 =	rddreg [dreg:$0x0];
	s2 =	stileid.u32  }
0x56: {  	s1 =	rddreg [dreg:$0x1];
	p0 =	sne.s32 s2, $0x0  }
0x57: {  	s3 =	rddreg [dreg:$0x2];
	[bflag:$0x3] =	sbarrier.arrive $0xFFFF;
	s2 =	simm.s32 @!p0 $0x1C01  }
0x58: {  	[timem:s3], [sflag:s2] =	dma.local @!p0 [hbm:s0], s1  }
0x59: {  	s0 =	simm.s32 @!p0 $0x1  }
0x5a: {  	_ =	swait.ge @!p0 [sflag:s0], s1  }
0x5b: {  	s1 =	ssub.s32 @!p0 $0x0, s1;
	[sflag:s0] =	ssyncset.done @!p0 $0x0  }
0x5c: {  	[sflag:s0] =	ssyncadd.s32 @!p0 s1  }
0x5d: {  	[bflag:$0x3] =	sbarrier.arrive $0xFFFF  }
0x5e: {  	_ =	shalt  }

// kernel: sparse-core-data-format-call.cloned.1.call-start
scs
called_computation_lowered:
.L_overlay_start_0:
0x0: {  	s2 =	sld [smem:$0x3FD9]  }
0x1: {  	s3 =	sld [smem:$0x3FFE];
	_ =	sdelay $0x1  }
0x2: {  	s1 =	srdreg.scid  }
0x3: {  	s0 =	sand.u32 $0x1, s1  }
0x4: {  	s18 =	sshll.u32 s0, $0xA;
	s2 =	sadd.s32 s3, s2  }
0x5: {  	s2 =	sadd.s32 s2, s18  }
0x6: {  	[smem:$0x3FC5] =	sst s2  }
0x7: {  	_ = 	snop  }
0x8: {  	s2 =	sld [smem:$0x3FD0];
	(tm) =	ssettm $0x1  }
0x9: {  	s19 =	sld [smem:$0x3FFB];
	_ =	sdelay $0x3  }
0xa: {  	_ =	strace s19  }
0xb: {  	s3 =	sld [smem:$0x3FFC];
	_ =	sdelay $0x3  }
0xc: {  	_ =	strace s3  }
0xd: {  	s3 =	sld [smem:$0x3FFD];
	_ =	sdelay $0x3  }
0xe: {  	_ =	strace s3  }
0xf: {  	_ =	strace $0x8FFFFFFF  }
0x10: {  	s20 =	sld [smem:$0x3FDB];
	_ =	sdelay $0x1  }
0x11: {  	s4 =	simm.s32 $_scs_section_size  }
0x12: {  	s5 =	simm.s32 $_size__tile_overlayer_lowered;
	s6 =	simm.s32 $_tile_overlayer_lowered  }
0x13: {  	s23 =	simm.s32 $0x1BFF;
	s22 =	sshll.u32 s6, $0x1;
	s3 =	sadd.s32 s4, s20  }
0x14: {  	s7 =	simm.s32 $0x0;
	s21 =	sshll.u32 s5, $0x1;
	s5 =	sadd.s32 s22, s3  }
0x15: {  	[timem:s7], [sflag:s23] =	dma.local [hbm:s5], s21  }
0x16: {  	_ =	swait.ge [sflag:s23], s21  }
0x17: {  	s4 =	ssub.s32 $0x0, s21;
	[sflag:s23] =	ssyncset.done $0x0  }
0x18: {  	[sflag:s23] =	ssyncadd.s32 s4;
	_ =	sdelay $0x1  }
0x19: {  	s24 =	simm.s32 $0x1B8B  }
0x1a: {  	_ =	swait.ge [sflag:s24], $0x1  }
0x1b: {  	[sflag:s24] =	ssyncset.done $0x0  }
0x1c: {  	s26 =	simm.s32 $0x1B8E;
	s25 =	sld [smem:$0x3FFE];
	[sflag:s24] =	ssyncadd.s32 $0xFFFFFFFF  }
0x1d: {  	s27 =	simm.s32 $execute0_lowered;
	[smem:$0x3FD2] =	sst s26  }
0x1e: {  	s5 =	sshll.u32 s27, $0x1;
	_ =	strace $0x8000004C;
	[dreg:$0x1] =	wrdreg $0xFFFFFFFF  }
0x1f: {  	s28 =	simm.s32 $_size_execute0_lowered;
	s3 =	sadd.s32 s3, s5;
	[dreg:$0x0] =	wrdreg $0x0  }
0x20: {  	s5 =	sshll.u32 s28, $0x1;
	[dreg:$0x2] =	wrdreg s3  }
0x21: {  	[dreg:$0x3] =	wrdreg s5  }
0x22: {  	[dreg:$0x4] =	wrdreg $0xC0  }
0x23: {  	_ =	task [dreg:s7], $0x5FFFF  }
0x24: {  	[dreg:$0x1] =	wrdreg $0xFFFFFFFF  }
0x25: {  	[dreg:$0x0] =	wrdreg $0x60  }
0x26: {  	[dreg:$0x2] =	wrdreg s2  }
0x27: {  	[dreg:$0x3] =	wrdreg s25  }
0x28: {  	[dreg:$0x4] =	wrdreg $0x9  }
0x29: {  	_ =	task.clear_ibuf [dreg:s7], $0x5FFFF;
	_ =	strace $0x9000004C  }
0x2a: {  	s29 =	simm.s32 $0x9;
	_ =	strace $0x8000004E  }
0x2b: {  	_ =	swait.ge [sflag:s29], $0x1  }
0x2c: {  	[sflag:s29] =	ssyncadd.s32 $0xFFFFFFFF  }
0x2d: {  	_ =	strace $0x9000004E  }
0x2e: {  	_ =	sfence  }
0x2f: {  	s30 =	sld [smem:$0x0];
	_ =	sdelay $0x2  }
0x30: {  	s31 =	sshll.u32 s1, $0xD;
	s1 =	sshrl.u32 s1, $0x2  }
0x31: {  	s3 =	sand.u32 $0x4000, s31;
	s1 =	sadd.s32 s1, s30  }
0x32: {  	s0 =	sor.u32 s3, s0;
	s1 =	sshll.u32 s1, $0x11  }
0x33: {  	s0 =	sor.u32 s1, s0  }
0x34: {  	s0 =	sadd.s32 $0x8F2B, s0  }
0x35: {  	[sflag:s0] =	ssyncadd.remote.s32 $0x1  }
0x36: {  	_ =	sfence.sel $0xFFFF  }
0x37: {  	[dreg:$0x0] =	wrdreg $0xFFFFFFFF;
	(pc) =	sbr.abs _section_cstart, $3  }
0x38: {  	[dreg:$0x1] =	wrdreg $0xFFFFFFFF  }
0x39: {  	_ =	task.clear_ibuf [dreg:s7], $0x2FFFF;
	_ =	strace $0x9FFFFFFF  }
0x3a: {  	(tm) =	ssettm $0x7FFFFFFF  }
0x3b: {  	_ =	shalt  }
tec
execute0_lowered:
.L_overlay_start_1:
0x0: {  	(tag) =	ssettag $0x1  }
0x1: {  	s0 =	srdreg.scid  }
0x2: {  	s1 =	sshll.u32 s0, $0x4  }
0x3: {  	s2 =	rddreg [dreg:$0x0];
	s0 =	stileid.u32;
	s1 =	sand.u32 $0x10, s1  }
0x4: {  	s4 =	rddreg [dreg:$0x1];
	s1 =	sor.u32 s0, s1  }
0x5: {  	s7 =	simm.s32 $0x1;
	s8 =	simm.s32 $0x2;
	s3 =	sshll.u32 s1, $0x2  }
0x6: {  	s9 =	simm.s32 $0x0;
	s12 =	simm.s32 $0x0;
	s6 =	ssub.s32 $0xC00, s3  }
.Ltmp0:
0x7: {  	s11 =	simm.s32 $0x0;
	s5 =	sand.u32 $0x7C, s6;
	(pc) =	sbr.rel .LBB1_1-.Ltmp0, $4  }
0x8: {  	s1 =	rddreg [dreg:$0x2];
	_ =	strace $0x8000004D;
	p0 =	sne.s32 s5, $0x0  }
0x9: {  	s6 =	sshrl.u32 s6, $0x7;
	s5 =	simm.s32 $0x1;
	s7 =	simm.s32 @!p0 $0x0  }
0xa: {  	s10 =	smov.u32 s3;
	[sflag:s5] =	ssyncpa.u1 $0x0;
	s6 =	sadd.s32 s7, s6  }
0xb: {  	[sflag:s8] =	ssyncpa.u1 $0x0;
	s8 =	simm.s32 $0x0;
	s7 =	sadd.s32 $0x1, s6  }
.LBB1_9:
0xc: {  	s14 =	sadd.s32 $0x80, s10  }
0xd: {  	p1 =	sgt.s32 s14, $0xBFF  }
0xe: {  	s14 =	smov.u32 @p1 s3;
	p1 =	sne.s32 s11, s7  }
.Ltmp1:
0xf: {  	p0 =	slt.u32 s11, $0x2;
	(pc) =	sbr.rel @!p1 .LBB1_10-.Ltmp1, $4  }
0x10: {  	s13 =	simm.s32 @!p0 $0x2  }
0x11: {  	s15 =	sadd.s32 $0x1, s11;
	_ =	swait.ge @!p0 [sflag:s13], $0x4000  }
0x12: {  	s12 =	smov.u32 s10;
	s9 =	sadd.s32 $0x4000, s9;
	[sflag:s13] =	ssyncset.done @!p0 $0x0  }
0x13: {  	s11 =	smov.u32 s15;
	s10 =	smov.u32 s14;
	[sflag:s13] =	ssyncadd.s32 @!p0 $0xFFFFC000  }
.LBB1_1:
0x14: {  	p0 =	sge.u32 s11, s6  }
0x15: {  	s13 =	sxor.u32 @!p0 $0xFFFFFFFF, s11  }
0x16: {  	s31 =	sadd.s32 $0xFFFFFFFF, s11;
	s14 =	sshll.u32 @!p0 s10, $0x9;
	s13 =	sshll.u32 @!p0 s13, $0xE  }
0x17: {  	s15 =	simm.s32 @!p0 $0x0;
	s14 =	sadd.s32 @!p0 s2, s14;
	s13 =	sand.u32 @!p0 $0x4000, s13  }
0x18: {  	[tilespmem:s13], [sflag:$0x1] =	stream.linear.gather @!p0 [hbm4b:s14+s15], $0x4000, $0x38;
	[tilespmem:$0x10000] =	vst v63  }
0x19: {  	p0 =	sge.u32 s31, s6  }
.Ltmp2:
0x1a: {  	_ = 	snop;
	(pc) =	sbr.rel @p0 .LBB1_9-.Ltmp2, $1  }
0x1b: {  	_ =	sdelay $0x3  }
0x1c: {  	s14 =	sand.u32 $0x4000, s9  }
0x1d: {  	_ =	swait.ge [sflag:s5], $0x4000;
	s15 =	sshll.u32 s11, $0xE;
	s16 =	simm.s32 $0x0  }
0x1e: {  	s13 =	sor.u32 $0x40, s14;
	[sflag:s5] =	ssyncset.done $0x0;
	s15 =	sand.u32 $0x4000, s15  }
0x1f: {  	s14 =	sor.u32 $0x8040, s14;
	[sflag:s5] =	ssyncadd.s32 $0xFFFFC000;
	s15 =	sor.u32 $0x8000, s15  }
.LBB1_3:
0x20: {  	s17 =	smov.u32 s14;
	s18 =	smov.u32 s13;
	s19 =	simm.s32 $0x0  }
.LBB1_4:
0x21: {  	v0 =	vmov s17;
	v2 =	vld [tilespmem:s18+$0x30]  }
0x22: {  	v4 =	vld [tilespmem:s18+$0xFFFFFFD0]  }
0x23: {  	v6 =	vld [tilespmem:s18+$0xFFFFFFE0]  }
0x24: {  	v7 =	vld [tilespmem:s18+$0xFFFFFFF0]  }
0x25: {  	s20 =	simm.s32 $0x0;
	v1 =	vld [tilespmem:s18+$0x0]  }
0x26: {  	v3 =	vld [tilespmem:s18+$0x10];
	[tilespmem:v0+s20+$0x30 ss:$0x1] =	vst.idx.msk $0xffff, v2  }
0x27: {  	v5 =	vld [tilespmem:s18+$0x20];
	[tilespmem:v0+s20+$0xFFFFFFD0 ss:$0x1] =	vst.idx.msk $0xffff, v4  }
0x28: {  	s21 =	sadd.s32 $0x80, s18;
	v2 =	vld [tilespmem:s18+$0xFFFFFFC0];
	[tilespmem:v0+s20+$0xFFFFFFE0 ss:$0x1] =	vst.idx.msk $0xffff, v6  }
0x29: {  	s22 =	simm.s32 $0x800;
	s23 =	simm.s32 $0x1000;
	v4 =	vld [tilespmem:s21+$0x30];
	[tilespmem:v0+s20+$0xFFFFFFF0 ss:$0x1] =	vst.idx.msk $0xffff, v7  }
.LBB1_5:
0x2a: {  	p0 =	sne.s32 s23, $0x3800;
	v6 =	vld [tilespmem:s21+$0xFFFFFFD0];
	[tilespmem:v0+s20+$0x0 ss:$0x1] =	vst.idx.msk $0xffff, v1  }
0x2b: {  	v7 =	vld [tilespmem:s21+$0xFFFFFFE0];
	[tilespmem:v0+s20+$0x10 ss:$0x1] =	vst.idx.msk $0xffff, v3  }
0x2c: {  	v8 =	vld [tilespmem:s21+$0xFFFFFFF0];
	[tilespmem:v0+s20+$0x20 ss:$0x1] =	vst.idx.msk $0xffff, v5  }
.Ltmp3:
0x2d: {  	v1 =	vld [tilespmem:s21+$0x0];
	[tilespmem:v0+s20+$0xFFFFFFC0 ss:$0x1] =	vst.idx.msk $0xffff, v2;
	s20 =	sshra.s32 s22, $0x2;
	s22 =	smov.u32 s23;
	(pc) =	sbr.rel @p0 .LBB1_5-.Ltmp3, $4  }
0x2e: {  	v3 =	vld [tilespmem:s21+$0x10];
	[tilespmem:v0+s20+$0x30 ss:$0x1] =	vst.idx.msk $0xffff, v4  }
0x2f: {  	[tilespmem:v0+s20+$0xFFFFFFD0 ss:$0x1] =	vst.idx.msk $0xffff, v6;
	v5 =	vld [tilespmem:s21+$0x20]  }
0x30: {  	v2 =	vld [tilespmem:s21+$0xFFFFFFC0];
	[tilespmem:v0+s20+$0xFFFFFFE0 ss:$0x1] =	vst.idx.msk $0xffff, v7;
	s21 =	sadd.s32 $0x80, s21  }
0x31: {  	s23 =	sadd.s32 $0x800, s23;
	v4 =	vld [tilespmem:s21+$0x30];
	[tilespmem:v0+s20+$0xFFFFFFF0 ss:$0x1] =	vst.idx.msk $0xffff, v8  }
0x32: {  	_ =	sdelay $0x3  }
0x33: {  	v6 =	vld [tilespmem:s21+$0xFFFFFFD0];
	[tilespmem:v0+s20+$0x0 ss:$0x1] =	vst.idx.msk $0xffff, v1  }
0x34: {  	v58 =	vld [tilespmem:s21+$0xFFFFFFE0];
	[tilespmem:v0+s20+$0x10 ss:$0x1] =	vst.idx.msk $0xffff, v3  }
0x35: {  	v59 =	vld [tilespmem:s21+$0xFFFFFFF0];
	[tilespmem:v0+s20+$0x20 ss:$0x1] =	vst.idx.msk $0xffff, v5  }
0x36: {  	s22 =	sshra.s32 s22, $0x2;
	v60 =	vld [tilespmem:s21+$0x0];
	[tilespmem:v0+s20+$0xFFFFFFC0 ss:$0x1] =	vst.idx.msk $0xffff, v2  }
0x37: {  	v61 =	vld [tilespmem:s21+$0x10];
	[tilespmem:v0+s22+$0x30 ss:$0x1] =	vst.idx.msk $0xffff, v4  }
0x38: {  	v62 =	vld [tilespmem:s21+$0x20];
	s19 =	sadd.s32 $0x1, s19;
	[tilespmem:v0+s22+$0xFFFFFFD0 ss:$0x1] =	vst.idx.msk $0xffff, v6  }
0x39: {  	v63 =	vld [tilespmem:s21+$0xFFFFFFC0];
	p0 =	sne.s32 s19, $0x4;
	[tilespmem:v0+s22+$0xFFFFFFE0 ss:$0x1] =	vst.idx.msk $0xffff, v58  }
.Ltmp4:
0x3a: {  	[tilespmem:v0+s22+$0xFFFFFFF0 ss:$0x1] =	vst.idx.msk $0xffff, v59;
	(pc) =	sbr.rel @p0 .LBB1_4-.Ltmp4, $4  }
0x3b: {  	[tilespmem:v0+s22+$0x0 ss:$0x1] =	vst.idx.msk $0xffff, v60  }
0x3c: {  	[tilespmem:v0+s22+$0x10 ss:$0x1] =	vst.idx.msk $0xffff, v61  }
0x3d: {  	[tilespmem:v0+s22+$0x20 ss:$0x1] =	vst.idx.msk $0xffff, v62  }
0x3e: {  	s18 =	sadd.s32 $0x400, s18;
	s17 =	sadd.s32 $0x80, s17;
	[tilespmem:v0+s22+$0xFFFFFFC0 ss:$0x1] =	vst.idx.msk $0xffff, v63  }
0x3f: {  	s16 =	sadd.s32 $0x1, s16  }
0x40: {  	p0 =	sne.s32 s16, $0x4  }
.Ltmp5:
0x41: {  	_ = 	snop;
	(pc) =	sbr.rel @p0 .LBB1_3-.Ltmp5, $2  }
0x42: {  	_ =	sdelay $0x2  }
0x43: {  	s13 =	sadd.s32 $0x1000, s13;
	s14 =	sadd.s32 $0x1000, s14  }
.Ltmp6:
0x44: {  	(pc) =	sbr.rel .LBB1_9-.Ltmp6, $4  }
0x45: {  	_ = 	snop  }
0x46: {  	s12 =	sshll.u32 s12, $0x9  }
0x47: {  	s12 =	sadd.s32 s4, s12  }
0x48: {  	[hbm4b:s12+s8] =	stream.linear.scatter [tilespmem:s15], [sflag:$0x2], $0x4000, $0x38;
	[tilespmem:$0x10000] =	vst v63  }
.LBB1_10:
0x49: {  	_ =	sfence.sel $0x180000  }
0x4a: {  	s2 =	simm.s32 $0x1;
	[bflag:$0x0] =	sbarrier.arrive $0xFFFF  }
0x4b: {  	s31 =	simm.s32 $0x2;
	[sflag:s2] =	ssyncpa.u1 $0x1  }
0x4c: {  	[sflag:s31] =	ssyncpa.u1 $0x1  }
0x4d: {  	p0 =	sne.s32 s0, $0x0;
	_ =	strace $0x9000004D  }
0x4e: {  	s0 =	sadd.s32 @!p0 $0x100000, s1;
	[bflag:$0x2] =	sbarrier.arrive $0xFFFF  }
0x4f: {  	[sflag:s0] =	ssyncadd.tile.s32 @!p0 $0x1;
	_ =	shalt  }
.Lfunc_end1:
_tile_overlayer_lowered:
.L_overlay_start_2:
0x50: {  	(tag) =	ssettag $0x2  }
0x51: {  	s0 =	rddreg [dreg:$0x0];
	s2 =	stileid.u32  }
0x52: {  	s1 =	rddreg [dreg:$0x1];
	p0 =	sne.s32 s2, $0x0  }
0x53: {  	s3 =	rddreg [dreg:$0x2];
	[bflag:$0x3] =	sbarrier.arrive $0xFFFF;
	s2 =	simm.s32 @!p0 $0x1C01  }
0x54: {  	[timem:s3], [sflag:s2] =	dma.local @!p0 [hbm:s0], s1  }
0x55: {  	s0 =	simm.s32 @!p0 $0x1  }
0x56: {  	_ =	swait.ge @!p0 [sflag:s0], s1  }
0x57: {  	s1 =	ssub.s32 @!p0 $0x0, s1;
	[sflag:s0] =	ssyncset.done @!p0 $0x0  }
0x58: {  	[sflag:s0] =	ssyncadd.s32 @!p0 s1  }
0x59: {  	[bflag:$0x3] =	sbarrier.arrive $0xFFFF  }
0x5a: {  	_ =	shalt  }

</sc_bundles>
